<compile_context>
chip_gen: v7x
topology: tpu7x:2x2x1
jax: 0.10.2.dev20260603
libtpu: 0.0.44.dev20260713+nightly
codegen_flags: <defaults>
</compile_context>

<pallas_src>
import functools

import jax
import jax.numpy as jnp
from jax import lax
from jax.experimental import pallas as pl
from jax.experimental.pallas import tpu as pltpu
from jax.experimental.pallas import tpu_sc as plsc

EMBED_DIM = 128
K = 7


def _gather_body(num_cores, b_per_w, seq, idx_hbm, table_hbm, out_hbm, idx_v, bufs, *sems):
    gsems, ssems = sems[:K], sems[K:]
    wid = lax.axis_index("s") * num_cores + lax.axis_index("c")
    b0 = wid * b_per_w
    pltpu.sync_copy(idx_hbm.at[:, pl.ds(b0, b_per_w)], idx_v)

    def gstart(j, b):
        pltpu.async_copy(table_hbm.at[idx_v.at[j]], bufs.at[b], gsems[b])

    def gwait(b):
        pltpu.make_async_copy(table_hbm.at[idx_v.at[0]], bufs.at[b], gsems[b]).wait()

    def sstart(j, b):
        pltpu.async_copy(bufs.at[b], out_hbm.at[j, pl.ds(b0, b_per_w)], ssems[b])

    def swait(b):
        pltpu.make_async_copy(
            bufs.at[b], out_hbm.at[0, pl.ds(b0, b_per_w)], ssems[b]
        ).wait()

    for b in range(K):
        gstart(b, b)

    n_full = seq // K
    rem = seq - n_full * K

    def outer(i, carry):
        j0 = i * K
        for b in range(K):
            gwait(b)
            sstart(j0 + b, b)
        for b in range(K):
            swait(b)
            gstart(j0 + K + b, b)
        return carry

    lax.fori_loop(0, n_full - 1, outer, 0)

    j0 = (n_full - 1) * K
    for b in range(K):
        gwait(b)
        sstart(j0 + b, b)
    for r in range(rem):
        u = n_full * K + r
        swait(r)
        gstart(u, r)
        gwait(r)
        sstart(u, r)
    for b in range(K):
        swait(b)


def kernel(x, table):
    B, S = x.shape
    info = plsc.get_sparse_core_info()
    num_workers = info.num_cores * info.num_subcores
    assert B % num_workers == 0 and S // K >= 1
    b_per_w = B // num_workers
    assert b_per_w <= 128
    idx_t = x.astype(jnp.int32).T

    mesh = plsc.VectorSubcoreMesh(core_axis_name="c", subcore_axis_name="s")
    k = pl.kernel(
        functools.partial(_gather_body, info.num_cores, b_per_w, S),
        out_type=jax.ShapeDtypeStruct((S, B, EMBED_DIM), jnp.float32),
        mesh=mesh,
        scratch_types=[
            pltpu.VMEM((S, b_per_w), jnp.int32),
            pltpu.VMEM((K, b_per_w, EMBED_DIM), jnp.float32),
        ]
        + [pltpu.SemaphoreType.DMA] * (2 * K),
    )
    out = k(idx_t, table)
    return jnp.transpose(out, (1, 0, 2))

# --- scband reference (transcript-rebuilt; emitter-appended) ---
"""Pipeline reference for scband-glove-encoder-66211215835557 (READ-ONLY COPY).

The authoritative reference and input builder live on the scoring server;
editing this copy changes nothing except your own understanding.
"""

import jax, jax.numpy as jnp
import numpy as np

NUM_EMBEDDINGS = 100000
EMBED_DIM = 128
PAD_IDX = 0


def setup_inputs(seed: int = 0) -> dict:
    key = jax.random.key(seed)
    k1, k2 = jax.random.split(key)
    x = jax.random.randint(k1, (4096, 50), 0, NUM_EMBEDDINGS, dtype=jnp.int64 if jax.config.jax_enable_x64 else jnp.int32)
    table = jax.random.normal(k2, (NUM_EMBEDDINGS, EMBED_DIM), dtype=jnp.float32)
    # nn.Embedding with padding_idx zeroes the pad row's output; the frozen
    # pretrained GloVe table conventionally has a zero pad row as well.
    table = table.at[PAD_IDX].set(0.0)
    return {"x": x, "table": table}


def reference(x, table):
    # Faithful translation of GloveEncoder.forward: a plain embedding lookup
    # into a frozen pretrained table.
    return jnp.take(table, x, axis=0)

if __name__ == "__main__":
    import jax
    _d = setup_inputs()
    print(jax.jit(kernel)(*tuple(_d.values())))

</pallas_src>

<mosaic_0001>
#map = affine_map<(d0, d1) -> (0, 0)>
#map1 = affine_map<(d0, d1) -> (0, 0, 0)>
module attributes {stable_mosaic.version = 14 : i64} {
  func.func @_gather_body(%arg0: i32, %arg1: i32, %arg2: memref<50x4096xi32, #tpu.memory_space<hbm>>, %arg3: memref<100000x128xf32, #tpu.memory_space<hbm>>, %arg4: memref<50x4096x128xf32, #tpu.memory_space<hbm>>, %arg5: memref<50x128xi32, #tpu.memory_space<vmem>>, %arg6: memref<7x128x128xf32, #tpu.memory_space<vmem>>, %arg7: memref<!tpu.dma_semaphore, #tpu.memory_space<semaphore_mem>>, %arg8: memref<!tpu.dma_semaphore, #tpu.memory_space<semaphore_mem>>, %arg9: memref<!tpu.dma_semaphore, #tpu.memory_space<semaphore_mem>>, %arg10: memref<!tpu.dma_semaphore, #tpu.memory_space<semaphore_mem>>, %arg11: memref<!tpu.dma_semaphore, #tpu.memory_space<semaphore_mem>>, %arg12: memref<!tpu.dma_semaphore, #tpu.memory_space<semaphore_mem>>, %arg13: memref<!tpu.dma_semaphore, #tpu.memory_space<semaphore_mem>>, %arg14: memref<!tpu.dma_semaphore, #tpu.memory_space<semaphore_mem>>, %arg15: memref<!tpu.dma_semaphore, #tpu.memory_space<semaphore_mem>>, %arg16: memref<!tpu.dma_semaphore, #tpu.memory_space<semaphore_mem>>, %arg17: memref<!tpu.dma_semaphore, #tpu.memory_space<semaphore_mem>>, %arg18: memref<!tpu.dma_semaphore, #tpu.memory_space<semaphore_mem>>, %arg19: memref<!tpu.dma_semaphore, #tpu.memory_space<semaphore_mem>>, %arg20: memref<!tpu.dma_semaphore, #tpu.memory_space<semaphore_mem>>) attributes {dimension_semantics = [#tpu.dimension_semantics<core_parallel>, #tpu.dimension_semantics<subcore_parallel>], iteration_bounds = array<i64: 2, 16>, scalar_prefetch = 0 : i64, scratch_operands = 16 : i64, tpu.core_type = #tpu.core_type<sc_vector_subcore>, window_params = [{transform_indices = #map}, {transform_indices = #map}, {transform_indices = #map1}]} {
    %mul3A = arith.constant 2 : i32
    %mul3A_0 = arith.muli %arg1, %mul3A : i32
    %add3A = arith.addi %mul3A_0, %arg0 : i32
    %mul3A_1 = arith.constant 128 : i32
    %mul3A_2 = arith.muli %add3A, %mul3A_1 : i32
    "tpu.region"() ({
      %run_scoped3A = tpu.sem_alloc : memref<!tpu.dma_semaphore, #tpu.memory_space<semaphore_mem>>
      %dma_start3A_454 = arith.constant 0 : i32
      %dma_start3A_455 = tpu.memref_slice %arg2[%dma_start3A_454, %mul3A_2] : memref<50x4096xi32, #tpu.memory_space<hbm>> -> memref<50x128xi32, #tpu.memory_space<hbm>>
      %dma_start3A_456 = arith.constant 0 : i32
      %dma_start3A_457 = tpu.memref_slice %arg2[%dma_start3A_456, %mul3A_2] : memref<50x4096xi32, #tpu.memory_space<hbm>> -> memref<50x128xi32, #tpu.memory_space<hbm>>
      tpu.enqueue_dma source(%dma_start3A_457 : memref<50x128xi32, #tpu.memory_space<hbm>>) target(%arg5 : memref<50x128xi32, #tpu.memory_space<vmem>>) target_semaphore(%run_scoped3A : memref<!tpu.dma_semaphore, #tpu.memory_space<semaphore_mem>>)
      %dma_wait3A_458 = arith.constant 0 : i32
      %dma_wait3A_459 = tpu.memref_slice %arg2[%dma_wait3A_458, %mul3A_2] : memref<50x4096xi32, #tpu.memory_space<hbm>> -> memref<50x128xi32, #tpu.memory_space<hbm>>
      %dma_wait3A_460 = arith.constant 0 : i32
      %dma_wait3A_461 = tpu.memref_slice %arg2[%dma_wait3A_460, %mul3A_2] : memref<50x4096xi32, #tpu.memory_space<hbm>> -> memref<50x128xi32, #tpu.memory_space<hbm>>
      tpu.wait_dma2 semaphore(%run_scoped3A : memref<!tpu.dma_semaphore, #tpu.memory_space<semaphore_mem>>) src(%dma_wait3A_461 : memref<50x128xi32, #tpu.memory_space<hbm>>) dst(%arg5 : memref<50x128xi32, #tpu.memory_space<vmem>>)
      tpu.yield
    }) : () -> ()
    %dma_start3A = arith.constant 0 : i32
    %dma_start3A_3 = arith.constant 0 : i32
    %dma_start3A_4 = arith.constant 0 : i32
    %dma_start3A_5 = arith.constant 0 : i32
    %dma_start3A_6 = tpu.memref_slice %arg6[%dma_start3A_3, %dma_start3A_4, %dma_start3A_5] : memref<7x128x128xf32, #tpu.memory_space<vmem>> -> memref<1x128x128xf32, #tpu.memory_space<vmem>>
    %dma_start3A_7 = tpu.memref_squeeze %dma_start3A_6 : memref<1x128x128xf32, #tpu.memory_space<vmem>> -> memref<128x128xf32, #tpu.memory_space<vmem>>
    %dma_start3A_8 = arith.constant 0 : i32
    %dma_start3A_9 = tpu.memref_slice %arg5[%dma_start3A, %dma_start3A_8] : memref<50x128xi32, #tpu.memory_space<vmem>> -> memref<1x128xi32, #tpu.memory_space<vmem>>
    %dma_start3A_10 = tpu.memref_squeeze %dma_start3A_9 : memref<1x128xi32, #tpu.memory_space<vmem>> -> memref<128xi32, #tpu.memory_space<vmem>>
    %dma_start3A_11 = arith.constant 0 : i32
    %dma_start3A_12 = arith.constant 0 : i32
    %dma_start3A_13 = tpu.memref_slice %arg3[%dma_start3A_11, %dma_start3A_12] : memref<100000x128xf32, #tpu.memory_space<hbm>> -> memref<100000x128xf32, #tpu.memory_space<hbm>>
    tpu.enqueue_indirect_dma source(%dma_start3A_13 : memref<100000x128xf32, #tpu.memory_space<hbm>>) target(%dma_start3A_7 : memref<128x128xf32, #tpu.memory_space<vmem>>) offsets(%dma_start3A_10 : memref<128xi32, #tpu.memory_space<vmem>>) semaphore(%arg7 : memref<!tpu.dma_semaphore, #tpu.memory_space<semaphore_mem>>)
    %dma_start3A_14 = arith.constant 1 : i32
    %dma_start3A_15 = arith.constant 1 : i32
    %dma_start3A_16 = arith.constant 0 : i32
    %dma_start3A_17 = arith.constant 0 : i32
    %dma_start3A_18 = tpu.memref_slice %arg6[%dma_start3A_15, %dma_start3A_16, %dma_start3A_17] : memref<7x128x128xf32, #tpu.memory_space<vmem>> -> memref<1x128x128xf32, #tpu.memory_space<vmem>>
    %dma_start3A_19 = tpu.memref_squeeze %dma_start3A_18 : memref<1x128x128xf32, #tpu.memory_space<vmem>> -> memref<128x128xf32, #tpu.memory_space<vmem>>
    %dma_start3A_20 = arith.constant 0 : i32
    %dma_start3A_21 = tpu.memref_slice %arg5[%dma_start3A_14, %dma_start3A_20] : memref<50x128xi32, #tpu.memory_space<vmem>> -> memref<1x128xi32, #tpu.memory_space<vmem>>
    %dma_start3A_22 = tpu.memref_squeeze %dma_start3A_21 : memref<1x128xi32, #tpu.memory_space<vmem>> -> memref<128xi32, #tpu.memory_space<vmem>>
    %dma_start3A_23 = arith.constant 0 : i32
    %dma_start3A_24 = arith.constant 0 : i32
    %dma_start3A_25 = tpu.memref_slice %arg3[%dma_start3A_23, %dma_start3A_24] : memref<100000x128xf32, #tpu.memory_space<hbm>> -> memref<100000x128xf32, #tpu.memory_space<hbm>>
    tpu.enqueue_indirect_dma source(%dma_start3A_25 : memref<100000x128xf32, #tpu.memory_space<hbm>>) target(%dma_start3A_19 : memref<128x128xf32, #tpu.memory_space<vmem>>) offsets(%dma_start3A_22 : memref<128xi32, #tpu.memory_space<vmem>>) semaphore(%arg8 : memref<!tpu.dma_semaphore, #tpu.memory_space<semaphore_mem>>)
    %dma_start3A_26 = arith.constant 2 : i32
    %dma_start3A_27 = arith.constant 2 : i32
    %dma_start3A_28 = arith.constant 0 : i32
    %dma_start3A_29 = arith.constant 0 : i32
    %dma_start3A_30 = tpu.memref_slice %arg6[%dma_start3A_27, %dma_start3A_28, %dma_start3A_29] : memref<7x128x128xf32, #tpu.memory_space<vmem>> -> memref<1x128x128xf32, #tpu.memory_space<vmem>>
    %dma_start3A_31 = tpu.memref_squeeze %dma_start3A_30 : memref<1x128x128xf32, #tpu.memory_space<vmem>> -> memref<128x128xf32, #tpu.memory_space<vmem>>
    %dma_start3A_32 = arith.constant 0 : i32
    %dma_start3A_33 = tpu.memref_slice %arg5[%dma_start3A_26, %dma_start3A_32] : memref<50x128xi32, #tpu.memory_space<vmem>> -> memref<1x128xi32, #tpu.memory_space<vmem>>
    %dma_start3A_34 = tpu.memref_squeeze %dma_start3A_33 : memref<1x128xi32, #tpu.memory_space<vmem>> -> memref<128xi32, #tpu.memory_space<vmem>>
    %dma_start3A_35 = arith.constant 0 : i32
    %dma_start3A_36 = arith.constant 0 : i32
    %dma_start3A_37 = tpu.memref_slice %arg3[%dma_start3A_35, %dma_start3A_36] : memref<100000x128xf32, #tpu.memory_space<hbm>> -> memref<100000x128xf32, #tpu.memory_space<hbm>>
    tpu.enqueue_indirect_dma source(%dma_start3A_37 : memref<100000x128xf32, #tpu.memory_space<hbm>>) target(%dma_start3A_31 : memref<128x128xf32, #tpu.memory_space<vmem>>) offsets(%dma_start3A_34 : memref<128xi32, #tpu.memory_space<vmem>>) semaphore(%arg9 : memref<!tpu.dma_semaphore, #tpu.memory_space<semaphore_mem>>)
    %dma_start3A_38 = arith.constant 3 : i32
    %dma_start3A_39 = arith.constant 3 : i32
    %dma_start3A_40 = arith.constant 0 : i32
    %dma_start3A_41 = arith.constant 0 : i32
    %dma_start3A_42 = tpu.memref_slice %arg6[%dma_start3A_39, %dma_start3A_40, %dma_start3A_41] : memref<7x128x128xf32, #tpu.memory_space<vmem>> -> memref<1x128x128xf32, #tpu.memory_space<vmem>>
    %dma_start3A_43 = tpu.memref_squeeze %dma_start3A_42 : memref<1x128x128xf32, #tpu.memory_space<vmem>> -> memref<128x128xf32, #tpu.memory_space<vmem>>
    %dma_start3A_44 = arith.constant 0 : i32
    %dma_start3A_45 = tpu.memref_slice %arg5[%dma_start3A_38, %dma_start3A_44] : memref<50x128xi32, #tpu.memory_space<vmem>> -> memref<1x128xi32, #tpu.memory_space<vmem>>
    %dma_start3A_46 = tpu.memref_squeeze %dma_start3A_45 : memref<1x128xi32, #tpu.memory_space<vmem>> -> memref<128xi32, #tpu.memory_space<vmem>>
    %dma_start3A_47 = arith.constant 0 : i32
    %dma_start3A_48 = arith.constant 0 : i32
    %dma_start3A_49 = tpu.memref_slice %arg3[%dma_start3A_47, %dma_start3A_48] : memref<100000x128xf32, #tpu.memory_space<hbm>> -> memref<100000x128xf32, #tpu.memory_space<hbm>>
    tpu.enqueue_indirect_dma source(%dma_start3A_49 : memref<100000x128xf32, #tpu.memory_space<hbm>>) target(%dma_start3A_43 : memref<128x128xf32, #tpu.memory_space<vmem>>) offsets(%dma_start3A_46 : memref<128xi32, #tpu.memory_space<vmem>>) semaphore(%arg10 : memref<!tpu.dma_semaphore, #tpu.memory_space<semaphore_mem>>)
    %dma_start3A_50 = arith.constant 4 : i32
    %dma_start3A_51 = arith.constant 4 : i32
    %dma_start3A_52 = arith.constant 0 : i32
    %dma_start3A_53 = arith.constant 0 : i32
    %dma_start3A_54 = tpu.memref_slice %arg6[%dma_start3A_51, %dma_start3A_52, %dma_start3A_53] : memref<7x128x128xf32, #tpu.memory_space<vmem>> -> memref<1x128x128xf32, #tpu.memory_space<vmem>>
    %dma_start3A_55 = tpu.memref_squeeze %dma_start3A_54 : memref<1x128x128xf32, #tpu.memory_space<vmem>> -> memref<128x128xf32, #tpu.memory_space<vmem>>
    %dma_start3A_56 = arith.constant 0 : i32
    %dma_start3A_57 = tpu.memref_slice %arg5[%dma_start3A_50, %dma_start3A_56] : memref<50x128xi32, #tpu.memory_space<vmem>> -> memref<1x128xi32, #tpu.memory_space<vmem>>
    %dma_start3A_58 = tpu.memref_squeeze %dma_start3A_57 : memref<1x128xi32, #tpu.memory_space<vmem>> -> memref<128xi32, #tpu.memory_space<vmem>>
    %dma_start3A_59 = arith.constant 0 : i32
    %dma_start3A_60 = arith.constant 0 : i32
    %dma_start3A_61 = tpu.memref_slice %arg3[%dma_start3A_59, %dma_start3A_60] : memref<100000x128xf32, #tpu.memory_space<hbm>> -> memref<100000x128xf32, #tpu.memory_space<hbm>>
    tpu.enqueue_indirect_dma source(%dma_start3A_61 : memref<100000x128xf32, #tpu.memory_space<hbm>>) target(%dma_start3A_55 : memref<128x128xf32, #tpu.memory_space<vmem>>) offsets(%dma_start3A_58 : memref<128xi32, #tpu.memory_space<vmem>>) semaphore(%arg11 : memref<!tpu.dma_semaphore, #tpu.memory_space<semaphore_mem>>)
    %dma_start3A_62 = arith.constant 5 : i32
    %dma_start3A_63 = arith.constant 5 : i32
    %dma_start3A_64 = arith.constant 0 : i32
    %dma_start3A_65 = arith.constant 0 : i32
    %dma_start3A_66 = tpu.memref_slice %arg6[%dma_start3A_63, %dma_start3A_64, %dma_start3A_65] : memref<7x128x128xf32, #tpu.memory_space<vmem>> -> memref<1x128x128xf32, #tpu.memory_space<vmem>>
    %dma_start3A_67 = tpu.memref_squeeze %dma_start3A_66 : memref<1x128x128xf32, #tpu.memory_space<vmem>> -> memref<128x128xf32, #tpu.memory_space<vmem>>
    %dma_start3A_68 = arith.constant 0 : i32
    %dma_start3A_69 = tpu.memref_slice %arg5[%dma_start3A_62, %dma_start3A_68] : memref<50x128xi32, #tpu.memory_space<vmem>> -> memref<1x128xi32, #tpu.memory_space<vmem>>
    %dma_start3A_70 = tpu.memref_squeeze %dma_start3A_69 : memref<1x128xi32, #tpu.memory_space<vmem>> -> memref<128xi32, #tpu.memory_space<vmem>>
    %dma_start3A_71 = arith.constant 0 : i32
    %dma_start3A_72 = arith.constant 0 : i32
    %dma_start3A_73 = tpu.memref_slice %arg3[%dma_start3A_71, %dma_start3A_72] : memref<100000x128xf32, #tpu.memory_space<hbm>> -> memref<100000x128xf32, #tpu.memory_space<hbm>>
    tpu.enqueue_indirect_dma source(%dma_start3A_73 : memref<100000x128xf32, #tpu.memory_space<hbm>>) target(%dma_start3A_67 : memref<128x128xf32, #tpu.memory_space<vmem>>) offsets(%dma_start3A_70 : memref<128xi32, #tpu.memory_space<vmem>>) semaphore(%arg12 : memref<!tpu.dma_semaphore, #tpu.memory_space<semaphore_mem>>)
    %dma_start3A_74 = arith.constant 6 : i32
    %dma_start3A_75 = arith.constant 6 : i32
    %dma_start3A_76 = arith.constant 0 : i32
    %dma_start3A_77 = arith.constant 0 : i32
    %dma_start3A_78 = tpu.memref_slice %arg6[%dma_start3A_75, %dma_start3A_76, %dma_start3A_77] : memref<7x128x128xf32, #tpu.memory_space<vmem>> -> memref<1x128x128xf32, #tpu.memory_space<vmem>>
    %dma_start3A_79 = tpu.memref_squeeze %dma_start3A_78 : memref<1x128x128xf32, #tpu.memory_space<vmem>> -> memref<128x128xf32, #tpu.memory_space<vmem>>
    %dma_start3A_80 = arith.constant 0 : i32
    %dma_start3A_81 = tpu.memref_slice %arg5[%dma_start3A_74, %dma_start3A_80] : memref<50x128xi32, #tpu.memory_space<vmem>> -> memref<1x128xi32, #tpu.memory_space<vmem>>
    %dma_start3A_82 = tpu.memref_squeeze %dma_start3A_81 : memref<1x128xi32, #tpu.memory_space<vmem>> -> memref<128xi32, #tpu.memory_space<vmem>>
    %dma_start3A_83 = arith.constant 0 : i32
    %dma_start3A_84 = arith.constant 0 : i32
    %dma_start3A_85 = tpu.memref_slice %arg3[%dma_start3A_83, %dma_start3A_84] : memref<100000x128xf32, #tpu.memory_space<hbm>> -> memref<100000x128xf32, #tpu.memory_space<hbm>>
    tpu.enqueue_indirect_dma source(%dma_start3A_85 : memref<100000x128xf32, #tpu.memory_space<hbm>>) target(%dma_start3A_79 : memref<128x128xf32, #tpu.memory_space<vmem>>) offsets(%dma_start3A_82 : memref<128xi32, #tpu.memory_space<vmem>>) semaphore(%arg13 : memref<!tpu.dma_semaphore, #tpu.memory_space<semaphore_mem>>)
    %scan3A = arith.constant 0 : i32
    %scan3A_86 = arith.constant 0 : i32
    %scan3A_87 = arith.constant 6 : i32
    %scan3A_88 = arith.addi %scan3A_86, %scan3A_87 : i32
    %scan3A_89 = arith.constant 1 : i32
    scf.for %scan3A_454 = %scan3A_86 to %scan3A_88 step %scan3A_89  : i32 {
      %mul3A_455 = arith.constant 7 : i32
      %mul3A_456 = arith.muli %scan3A_454, %mul3A_455 : i32
      %dma_wait3A_457 = arith.constant 0 : i32
      %dma_wait3A_458 = arith.constant 0 : i32
      %dma_wait3A_459 = arith.constant 0 : i32
      %dma_wait3A_460 = arith.constant 0 : i32
      %dma_wait3A_461 = tpu.memref_slice %arg6[%dma_wait3A_458, %dma_wait3A_459, %dma_wait3A_460] : memref<7x128x128xf32, #tpu.memory_space<vmem>> -> memref<1x128x128xf32, #tpu.memory_space<vmem>>
      %dma_wait3A_462 = tpu.memref_squeeze %dma_wait3A_461 : memref<1x128x128xf32, #tpu.memory_space<vmem>> -> memref<128x128xf32, #tpu.memory_space<vmem>>
      %dma_wait3A_463 = arith.constant 0 : i32
      %dma_wait3A_464 = tpu.memref_slice %arg5[%dma_wait3A_457, %dma_wait3A_463] : memref<50x128xi32, #tpu.memory_space<vmem>> -> memref<1x128xi32, #tpu.memory_space<vmem>>
      %dma_wait3A_465 = tpu.memref_squeeze %dma_wait3A_464 : memref<1x128xi32, #tpu.memory_space<vmem>> -> memref<128xi32, #tpu.memory_space<vmem>>
      %dma_wait3A_466 = arith.constant 0 : i32
      %dma_wait3A_467 = arith.constant 0 : i32
      %dma_wait3A_468 = tpu.memref_slice %arg3[%dma_wait3A_466, %dma_wait3A_467] : memref<100000x128xf32, #tpu.memory_space<hbm>> -> memref<100000x128xf32, #tpu.memory_space<hbm>>
      tpu.wait_indirect_dma semaphore(%arg7 : memref<!tpu.dma_semaphore, #tpu.memory_space<semaphore_mem>>) src(%dma_wait3A_468 : memref<100000x128xf32, #tpu.memory_space<hbm>>) dst(%dma_wait3A_462 : memref<128x128xf32, #tpu.memory_space<vmem>>)
      %add3A_469 = arith.constant 0 : i32
      %add3A_470 = arith.addi %mul3A_456, %add3A_469 : i32
      %dma_start3A_471 = arith.constant 0 : i32
      %dma_start3A_472 = arith.constant 0 : i32
      %dma_start3A_473 = arith.constant 0 : i32
      %dma_start3A_474 = tpu.memref_slice %arg6[%dma_start3A_471, %dma_start3A_472, %dma_start3A_473] : memref<7x128x128xf32, #tpu.memory_space<vmem>> -> memref<1x128x128xf32, #tpu.memory_space<vmem>>
      %dma_start3A_475 = tpu.memref_squeeze %dma_start3A_474 : memref<1x128x128xf32, #tpu.memory_space<vmem>> -> memref<128x128xf32, #tpu.memory_space<vmem>>
      %dma_start3A_476 = arith.constant 0 : i32
      %dma_start3A_477 = tpu.memref_slice %arg4[%add3A_470, %mul3A_2, %dma_start3A_476] : memref<50x4096x128xf32, #tpu.memory_space<hbm>> -> memref<1x128x128xf32, #tpu.memory_space<hbm>>
      %dma_start3A_478 = tpu.memref_squeeze %dma_start3A_477 : memref<1x128x128xf32, #tpu.memory_space<hbm>> -> memref<128x128xf32, #tpu.memory_space<hbm>>
      %dma_start3A_479 = arith.constant 0 : i32
      %dma_start3A_480 = tpu.memref_slice %arg4[%add3A_470, %mul3A_2, %dma_start3A_479] : memref<50x4096x128xf32, #tpu.memory_space<hbm>> -> memref<1x128x128xf32, #tpu.memory_space<hbm>>
      %dma_start3A_481 = tpu.memref_squeeze %dma_start3A_480 : memref<1x128x128xf32, #tpu.memory_space<hbm>> -> memref<128x128xf32, #tpu.memory_space<hbm>>
      %dma_start3A_482 = arith.constant 0 : i32
      %dma_start3A_483 = arith.constant 0 : i32
      %dma_start3A_484 = tpu.memref_slice %arg6[%dma_start3A_471, %dma_start3A_482, %dma_start3A_483] : memref<7x128x128xf32, #tpu.memory_space<vmem>> -> memref<1x128x128xf32, #tpu.memory_space<vmem>>
      %dma_start3A_485 = tpu.memref_squeeze %dma_start3A_484 : memref<1x128x128xf32, #tpu.memory_space<vmem>> -> memref<128x128xf32, #tpu.memory_space<vmem>>
      tpu.enqueue_dma source(%dma_start3A_485 : memref<128x128xf32, #tpu.memory_space<vmem>>) target(%dma_start3A_481 : memref<128x128xf32, #tpu.memory_space<hbm>>) target_semaphore(%arg14 : memref<!tpu.dma_semaphore, #tpu.memory_space<semaphore_mem>>)
      %dma_wait3A_486 = arith.constant 0 : i32
      %dma_wait3A_487 = arith.constant 1 : i32
      %dma_wait3A_488 = arith.constant 0 : i32
      %dma_wait3A_489 = arith.constant 0 : i32
      %dma_wait3A_490 = tpu.memref_slice %arg6[%dma_wait3A_487, %dma_wait3A_488, %dma_wait3A_489] : memref<7x128x128xf32, #tpu.memory_space<vmem>> -> memref<1x128x128xf32, #tpu.memory_space<vmem>>
      %dma_wait3A_491 = tpu.memref_squeeze %dma_wait3A_490 : memref<1x128x128xf32, #tpu.memory_space<vmem>> -> memref<128x128xf32, #tpu.memory_space<vmem>>
      %dma_wait3A_492 = arith.constant 0 : i32
      %dma_wait3A_493 = tpu.memref_slice %arg5[%dma_wait3A_486, %dma_wait3A_492] : memref<50x128xi32, #tpu.memory_space<vmem>> -> memref<1x128xi32, #tpu.memory_space<vmem>>
      %dma_wait3A_494 = tpu.memref_squeeze %dma_wait3A_493 : memref<1x128xi32, #tpu.memory_space<vmem>> -> memref<128xi32, #tpu.memory_space<vmem>>
      %dma_wait3A_495 = arith.constant 0 : i32
      %dma_wait3A_496 = arith.constant 0 : i32
      %dma_wait3A_497 = tpu.memref_slice %arg3[%dma_wait3A_495, %dma_wait3A_496] : memref<100000x128xf32, #tpu.memory_space<hbm>> -> memref<100000x128xf32, #tpu.memory_space<hbm>>
      tpu.wait_indirect_dma semaphore(%arg8 : memref<!tpu.dma_semaphore, #tpu.memory_space<semaphore_mem>>) src(%dma_wait3A_497 : memref<100000x128xf32, #tpu.memory_space<hbm>>) dst(%dma_wait3A_491 : memref<128x128xf32, #tpu.memory_space<vmem>>)
      %add3A_498 = arith.constant 1 : i32
      %add3A_499 = arith.addi %mul3A_456, %add3A_498 : i32
      %dma_start3A_500 = arith.constant 1 : i32
      %dma_start3A_501 = arith.constant 0 : i32
      %dma_start3A_502 = arith.constant 0 : i32
      %dma_start3A_503 = tpu.memref_slice %arg6[%dma_start3A_500, %dma_start3A_501, %dma_start3A_502] : memref<7x128x128xf32, #tpu.memory_space<vmem>> -> memref<1x128x128xf32, #tpu.memory_space<vmem>>
      %dma_start3A_504 = tpu.memref_squeeze %dma_start3A_503 : memref<1x128x128xf32, #tpu.memory_space<vmem>> -> memref<128x128xf32, #tpu.memory_space<vmem>>
      %dma_start3A_505 = arith.constant 0 : i32
      %dma_start3A_506 = tpu.memref_slice %arg4[%add3A_499, %mul3A_2, %dma_start3A_505] : memref<50x4096x128xf32, #tpu.memory_space<hbm>> -> memref<1x128x128xf32, #tpu.memory_space<hbm>>
      %dma_start3A_507 = tpu.memref_squeeze %dma_start3A_506 : memref<1x128x128xf32, #tpu.memory_space<hbm>> -> memref<128x128xf32, #tpu.memory_space<hbm>>
      %dma_start3A_508 = arith.constant 0 : i32
      %dma_start3A_509 = tpu.memref_slice %arg4[%add3A_499, %mul3A_2, %dma_start3A_508] : memref<50x4096x128xf32, #tpu.memory_space<hbm>> -> memref<1x128x128xf32, #tpu.memory_space<hbm>>
      %dma_start3A_510 = tpu.memref_squeeze %dma_start3A_509 : memref<1x128x128xf32, #tpu.memory_space<hbm>> -> memref<128x128xf32, #tpu.memory_space<hbm>>
      %dma_start3A_511 = arith.constant 0 : i32
      %dma_start3A_512 = arith.constant 0 : i32
      %dma_start3A_513 = tpu.memref_slice %arg6[%dma_start3A_500, %dma_start3A_511, %dma_start3A_512] : memref<7x128x128xf32, #tpu.memory_space<vmem>> -> memref<1x128x128xf32, #tpu.memory_space<vmem>>
      %dma_start3A_514 = tpu.memref_squeeze %dma_start3A_513 : memref<1x128x128xf32, #tpu.memory_space<vmem>> -> memref<128x128xf32, #tpu.memory_space<vmem>>
      tpu.enqueue_dma source(%dma_start3A_514 : memref<128x128xf32, #tpu.memory_space<vmem>>) target(%dma_start3A_510 : memref<128x128xf32, #tpu.memory_space<hbm>>) target_semaphore(%arg15 : memref<!tpu.dma_semaphore, #tpu.memory_space<semaphore_mem>>)
      %dma_wait3A_515 = arith.constant 0 : i32
      %dma_wait3A_516 = arith.constant 2 : i32
      %dma_wait3A_517 = arith.constant 0 : i32
      %dma_wait3A_518 = arith.constant 0 : i32
      %dma_wait3A_519 = tpu.memref_slice %arg6[%dma_wait3A_516, %dma_wait3A_517, %dma_wait3A_518] : memref<7x128x128xf32, #tpu.memory_space<vmem>> -> memref<1x128x128xf32, #tpu.memory_space<vmem>>
      %dma_wait3A_520 = tpu.memref_squeeze %dma_wait3A_519 : memref<1x128x128xf32, #tpu.memory_space<vmem>> -> memref<128x128xf32, #tpu.memory_space<vmem>>
      %dma_wait3A_521 = arith.constant 0 : i32
      %dma_wait3A_522 = tpu.memref_slice %arg5[%dma_wait3A_515, %dma_wait3A_521] : memref<50x128xi32, #tpu.memory_space<vmem>> -> memref<1x128xi32, #tpu.memory_space<vmem>>
      %dma_wait3A_523 = tpu.memref_squeeze %dma_wait3A_522 : memref<1x128xi32, #tpu.memory_space<vmem>> -> memref<128xi32, #tpu.memory_space<vmem>>
      %dma_wait3A_524 = arith.constant 0 : i32
      %dma_wait3A_525 = arith.constant 0 : i32
      %dma_wait3A_526 = tpu.memref_slice %arg3[%dma_wait3A_524, %dma_wait3A_525] : memref<100000x128xf32, #tpu.memory_space<hbm>> -> memref<100000x128xf32, #tpu.memory_space<hbm>>
      tpu.wait_indirect_dma semaphore(%arg9 : memref<!tpu.dma_semaphore, #tpu.memory_space<semaphore_mem>>) src(%dma_wait3A_526 : memref<100000x128xf32, #tpu.memory_space<hbm>>) dst(%dma_wait3A_520 : memref<128x128xf32, #tpu.memory_space<vmem>>)
      %add3A_527 = arith.constant 2 : i32
      %add3A_528 = arith.addi %mul3A_456, %add3A_527 : i32
      %dma_start3A_529 = arith.constant 2 : i32
      %dma_start3A_530 = arith.constant 0 : i32
      %dma_start3A_531 = arith.constant 0 : i32
      %dma_start3A_532 = tpu.memref_slice %arg6[%dma_start3A_529, %dma_start3A_530, %dma_start3A_531] : memref<7x128x128xf32, #tpu.memory_space<vmem>> -> memref<1x128x128xf32, #tpu.memory_space<vmem>>
      %dma_start3A_533 = tpu.memref_squeeze %dma_start3A_532 : memref<1x128x128xf32, #tpu.memory_space<vmem>> -> memref<128x128xf32, #tpu.memory_space<vmem>>
      %dma_start3A_534 = arith.constant 0 : i32
      %dma_start3A_535 = tpu.memref_slice %arg4[%add3A_528, %mul3A_2, %dma_start3A_534] : memref<50x4096x128xf32, #tpu.memory_space<hbm>> -> memref<1x128x128xf32, #tpu.memory_space<hbm>>
      %dma_start3A_536 = tpu.memref_squeeze %dma_start3A_535 : memref<1x128x128xf32, #tpu.memory_space<hbm>> -> memref<128x128xf32, #tpu.memory_space<hbm>>
      %dma_start3A_537 = arith.constant 0 : i32
      %dma_start3A_538 = tpu.memref_slice %arg4[%add3A_528, %mul3A_2, %dma_start3A_537] : memref<50x4096x128xf32, #tpu.memory_space<hbm>> -> memref<1x128x128xf32, #tpu.memory_space<hbm>>
      %dma_start3A_539 = tpu.memref_squeeze %dma_start3A_538 : memref<1x128x128xf32, #tpu.memory_space<hbm>> -> memref<128x128xf32, #tpu.memory_space<hbm>>
      %dma_start3A_540 = arith.constant 0 : i32
      %dma_start3A_541 = arith.constant 0 : i32
      %dma_start3A_542 = tpu.memref_slice %arg6[%dma_start3A_529, %dma_start3A_540, %dma_start3A_541] : memref<7x128x128xf32, #tpu.memory_space<vmem>> -> memref<1x128x128xf32, #tpu.memory_space<vmem>>
      %dma_start3A_543 = tpu.memref_squeeze %dma_start3A_542 : memref<1x128x128xf32, #tpu.memory_space<vmem>> -> memref<128x128xf32, #tpu.memory_space<vmem>>
      tpu.enqueue_dma source(%dma_start3A_543 : memref<128x128xf32, #tpu.memory_space<vmem>>) target(%dma_start3A_539 : memref<128x128xf32, #tpu.memory_space<hbm>>) target_semaphore(%arg16 : memref<!tpu.dma_semaphore, #tpu.memory_space<semaphore_mem>>)
      %dma_wait3A_544 = arith.constant 0 : i32
      %dma_wait3A_545 = arith.constant 3 : i32
      %dma_wait3A_546 = arith.constant 0 : i32
      %dma_wait3A_547 = arith.constant 0 : i32
      %dma_wait3A_548 = tpu.memref_slice %arg6[%dma_wait3A_545, %dma_wait3A_546, %dma_wait3A_547] : memref<7x128x128xf32, #tpu.memory_space<vmem>> -> memref<1x128x128xf32, #tpu.memory_space<vmem>>
      %dma_wait3A_549 = tpu.memref_squeeze %dma_wait3A_548 : memref<1x128x128xf32, #tpu.memory_space<vmem>> -> memref<128x128xf32, #tpu.memory_space<vmem>>
      %dma_wait3A_550 = arith.constant 0 : i32
      %dma_wait3A_551 = tpu.memref_slice %arg5[%dma_wait3A_544, %dma_wait3A_550] : memref<50x128xi32, #tpu.memory_space<vmem>> -> memref<1x128xi32, #tpu.memory_space<vmem>>
      %dma_wait3A_552 = tpu.memref_squeeze %dma_wait3A_551 : memref<1x128xi32, #tpu.memory_space<vmem>> -> memref<128xi32, #tpu.memory_space<vmem>>
      %dma_wait3A_553 = arith.constant 0 : i32
      %dma_wait3A_554 = arith.constant 0 : i32
      %dma_wait3A_555 = tpu.memref_slice %arg3[%dma_wait3A_553, %dma_wait3A_554] : memref<100000x128xf32, #tpu.memory_space<hbm>> -> memref<100000x128xf32, #tpu.memory_space<hbm>>
      tpu.wait_indirect_dma semaphore(%arg10 : memref<!tpu.dma_semaphore, #tpu.memory_space<semaphore_mem>>) src(%dma_wait3A_555 : memref<100000x128xf32, #tpu.memory_space<hbm>>) dst(%dma_wait3A_549 : memref<128x128xf32, #tpu.memory_space<vmem>>)
      %add3A_556 = arith.constant 3 : i32
      %add3A_557 = arith.addi %mul3A_456, %add3A_556 : i32
      %dma_start3A_558 = arith.constant 3 : i32
      %dma_start3A_559 = arith.constant 0 : i32
      %dma_start3A_560 = arith.constant 0 : i32
      %dma_start3A_561 = tpu.memref_slice %arg6[%dma_start3A_558, %dma_start3A_559, %dma_start3A_560] : memref<7x128x128xf32, #tpu.memory_space<vmem>> -> memref<1x128x128xf32, #tpu.memory_space<vmem>>
      %dma_start3A_562 = tpu.memref_squeeze %dma_start3A_561 : memref<1x128x128xf32, #tpu.memory_space<vmem>> -> memref<128x128xf32, #tpu.memory_space<vmem>>
      %dma_start3A_563 = arith.constant 0 : i32
      %dma_start3A_564 = tpu.memref_slice %arg4[%add3A_557, %mul3A_2, %dma_start3A_563] : memref<50x4096x128xf32, #tpu.memory_space<hbm>> -> memref<1x128x128xf32, #tpu.memory_space<hbm>>
      %dma_start3A_565 = tpu.memref_squeeze %dma_start3A_564 : memref<1x128x128xf32, #tpu.memory_space<hbm>> -> memref<128x128xf32, #tpu.memory_space<hbm>>
      %dma_start3A_566 = arith.constant 0 : i32
      %dma_start3A_567 = tpu.memref_slice %arg4[%add3A_557, %mul3A_2, %dma_start3A_566] : memref<50x4096x128xf32, #tpu.memory_space<hbm>> -> memref<1x128x128xf32, #tpu.memory_space<hbm>>
      %dma_start3A_568 = tpu.memref_squeeze %dma_start3A_567 : memref<1x128x128xf32, #tpu.memory_space<hbm>> -> memref<128x128xf32, #tpu.memory_space<hbm>>
      %dma_start3A_569 = arith.constant 0 : i32
      %dma_start3A_570 = arith.constant 0 : i32
      %dma_start3A_571 = tpu.memref_slice %arg6[%dma_start3A_558, %dma_start3A_569, %dma_start3A_570] : memref<7x128x128xf32, #tpu.memory_space<vmem>> -> memref<1x128x128xf32, #tpu.memory_space<vmem>>
      %dma_start3A_572 = tpu.memref_squeeze %dma_start3A_571 : memref<1x128x128xf32, #tpu.memory_space<vmem>> -> memref<128x128xf32, #tpu.memory_space<vmem>>
      tpu.enqueue_dma source(%dma_start3A_572 : memref<128x128xf32, #tpu.memory_space<vmem>>) target(%dma_start3A_568 : memref<128x128xf32, #tpu.memory_space<hbm>>) target_semaphore(%arg17 : memref<!tpu.dma_semaphore, #tpu.memory_space<semaphore_mem>>)
      %dma_wait3A_573 = arith.constant 0 : i32
      %dma_wait3A_574 = arith.constant 4 : i32
      %dma_wait3A_575 = arith.constant 0 : i32
      %dma_wait3A_576 = arith.constant 0 : i32
      %dma_wait3A_577 = tpu.memref_slice %arg6[%dma_wait3A_574, %dma_wait3A_575, %dma_wait3A_576] : memref<7x128x128xf32, #tpu.memory_space<vmem>> -> memref<1x128x128xf32, #tpu.memory_space<vmem>>
      %dma_wait3A_578 = tpu.memref_squeeze %dma_wait3A_577 : memref<1x128x128xf32, #tpu.memory_space<vmem>> -> memref<128x128xf32, #tpu.memory_space<vmem>>
      %dma_wait3A_579 = arith.constant 0 : i32
      %dma_wait3A_580 = tpu.memref_slice %arg5[%dma_wait3A_573, %dma_wait3A_579] : memref<50x128xi32, #tpu.memory_space<vmem>> -> memref<1x128xi32, #tpu.memory_space<vmem>>
      %dma_wait3A_581 = tpu.memref_squeeze %dma_wait3A_580 : memref<1x128xi32, #tpu.memory_space<vmem>> -> memref<128xi32, #tpu.memory_space<vmem>>
      %dma_wait3A_582 = arith.constant 0 : i32
      %dma_wait3A_583 = arith.constant 0 : i32
      %dma_wait3A_584 = tpu.memref_slice %arg3[%dma_wait3A_582, %dma_wait3A_583] : memref<100000x128xf32, #tpu.memory_space<hbm>> -> memref<100000x128xf32, #tpu.memory_space<hbm>>
      tpu.wait_indirect_dma semaphore(%arg11 : memref<!tpu.dma_semaphore, #tpu.memory_space<semaphore_mem>>) src(%dma_wait3A_584 : memref<100000x128xf32, #tpu.memory_space<hbm>>) dst(%dma_wait3A_578 : memref<128x128xf32, #tpu.memory_space<vmem>>)
      %add3A_585 = arith.constant 4 : i32
      %add3A_586 = arith.addi %mul3A_456, %add3A_585 : i32
      %dma_start3A_587 = arith.constant 4 : i32
      %dma_start3A_588 = arith.constant 0 : i32
      %dma_start3A_589 = arith.constant 0 : i32
      %dma_start3A_590 = tpu.memref_slice %arg6[%dma_start3A_587, %dma_start3A_588, %dma_start3A_589] : memref<7x128x128xf32, #tpu.memory_space<vmem>> -> memref<1x128x128xf32, #tpu.memory_space<vmem>>
      %dma_start3A_591 = tpu.memref_squeeze %dma_start3A_590 : memref<1x128x128xf32, #tpu.memory_space<vmem>> -> memref<128x128xf32, #tpu.memory_space<vmem>>
      %dma_start3A_592 = arith.constant 0 : i32
      %dma_start3A_593 = tpu.memref_slice %arg4[%add3A_586, %mul3A_2, %dma_start3A_592] : memref<50x4096x128xf32, #tpu.memory_space<hbm>> -> memref<1x128x128xf32, #tpu.memory_space<hbm>>
      %dma_start3A_594 = tpu.memref_squeeze %dma_start3A_593 : memref<1x128x128xf32, #tpu.memory_space<hbm>> -> memref<128x128xf32, #tpu.memory_space<hbm>>
      %dma_start3A_595 = arith.constant 0 : i32
      %dma_start3A_596 = tpu.memref_slice %arg4[%add3A_586, %mul3A_2, %dma_start3A_595] : memref<50x4096x128xf32, #tpu.memory_space<hbm>> -> memref<1x128x128xf32, #tpu.memory_space<hbm>>
      %dma_start3A_597 = tpu.memref_squeeze %dma_start3A_596 : memref<1x128x128xf32, #tpu.memory_space<hbm>> -> memref<128x128xf32, #tpu.memory_space<hbm>>
      %dma_start3A_598 = arith.constant 0 : i32
      %dma_start3A_599 = arith.constant 0 : i32
      %dma_start3A_600 = tpu.memref_slice %arg6[%dma_start3A_587, %dma_start3A_598, %dma_start3A_599] : memref<7x128x128xf32, #tpu.memory_space<vmem>> -> memref<1x128x128xf32, #tpu.memory_space<vmem>>
      %dma_start3A_601 = tpu.memref_squeeze %dma_start3A_600 : memref<1x128x128xf32, #tpu.memory_space<vmem>> -> memref<128x128xf32, #tpu.memory_space<vmem>>
      tpu.enqueue_dma source(%dma_start3A_601 : memref<128x128xf32, #tpu.memory_space<vmem>>) target(%dma_start3A_597 : memref<128x128xf32, #tpu.memory_space<hbm>>) target_semaphore(%arg18 : memref<!tpu.dma_semaphore, #tpu.memory_space<semaphore_mem>>)
      %dma_wait3A_602 = arith.constant 0 : i32
      %dma_wait3A_603 = arith.constant 5 : i32
      %dma_wait3A_604 = arith.constant 0 : i32
      %dma_wait3A_605 = arith.constant 0 : i32
      %dma_wait3A_606 = tpu.memref_slice %arg6[%dma_wait3A_603, %dma_wait3A_604, %dma_wait3A_605] : memref<7x128x128xf32, #tpu.memory_space<vmem>> -> memref<1x128x128xf32, #tpu.memory_space<vmem>>
      %dma_wait3A_607 = tpu.memref_squeeze %dma_wait3A_606 : memref<1x128x128xf32, #tpu.memory_space<vmem>> -> memref<128x128xf32, #tpu.memory_space<vmem>>
      %dma_wait3A_608 = arith.constant 0 : i32
      %dma_wait3A_609 = tpu.memref_slice %arg5[%dma_wait3A_602, %dma_wait3A_608] : memref<50x128xi32, #tpu.memory_space<vmem>> -> memref<1x128xi32, #tpu.memory_space<vmem>>
      %dma_wait3A_610 = tpu.memref_squeeze %dma_wait3A_609 : memref<1x128xi32, #tpu.memory_space<vmem>> -> memref<128xi32, #tpu.memory_space<vmem>>
      %dma_wait3A_611 = arith.constant 0 : i32
      %dma_wait3A_612 = arith.constant 0 : i32
      %dma_wait3A_613 = tpu.memref_slice %arg3[%dma_wait3A_611, %dma_wait3A_612] : memref<100000x128xf32, #tpu.memory_space<hbm>> -> memref<100000x128xf32, #tpu.memory_space<hbm>>
      tpu.wait_indirect_dma semaphore(%arg12 : memref<!tpu.dma_semaphore, #tpu.memory_space<semaphore_mem>>) src(%dma_wait3A_613 : memref<100000x128xf32, #tpu.memory_space<hbm>>) dst(%dma_wait3A_607 : memref<128x128xf32, #tpu.memory_space<vmem>>)
      %add3A_614 = arith.constant 5 : i32
      %add3A_615 = arith.addi %mul3A_456, %add3A_614 : i32
      %dma_start3A_616 = arith.constant 5 : i32
      %dma_start3A_617 = arith.constant 0 : i32
      %dma_start3A_618 = arith.constant 0 : i32
      %dma_start3A_619 = tpu.memref_slice %arg6[%dma_start3A_616, %dma_start3A_617, %dma_start3A_618] : memref<7x128x128xf32, #tpu.memory_space<vmem>> -> memref<1x128x128xf32, #tpu.memory_space<vmem>>
      %dma_start3A_620 = tpu.memref_squeeze %dma_start3A_619 : memref<1x128x128xf32, #tpu.memory_space<vmem>> -> memref<128x128xf32, #tpu.memory_space<vmem>>
      %dma_start3A_621 = arith.constant 0 : i32
      %dma_start3A_622 = tpu.memref_slice %arg4[%add3A_615, %mul3A_2, %dma_start3A_621] : memref<50x4096x128xf32, #tpu.memory_space<hbm>> -> memref<1x128x128xf32, #tpu.memory_space<hbm>>
      %dma_start3A_623 = tpu.memref_squeeze %dma_start3A_622 : memref<1x128x128xf32, #tpu.memory_space<hbm>> -> memref<128x128xf32, #tpu.memory_space<hbm>>
      %dma_start3A_624 = arith.constant 0 : i32
      %dma_start3A_625 = tpu.memref_slice %arg4[%add3A_615, %mul3A_2, %dma_start3A_624] : memref<50x4096x128xf32, #tpu.memory_space<hbm>> -> memref<1x128x128xf32, #tpu.memory_space<hbm>>
      %dma_start3A_626 = tpu.memref_squeeze %dma_start3A_625 : memref<1x128x128xf32, #tpu.memory_space<hbm>> -> memref<128x128xf32, #tpu.memory_space<hbm>>
      %dma_start3A_627 = arith.constant 0 : i32
      %dma_start3A_628 = arith.constant 0 : i32
      %dma_start3A_629 = tpu.memref_slice %arg6[%dma_start3A_616, %dma_start3A_627, %dma_start3A_628] : memref<7x128x128xf32, #tpu.memory_space<vmem>> -> memref<1x128x128xf32, #tpu.memory_space<vmem>>
      %dma_start3A_630 = tpu.memref_squeeze %dma_start3A_629 : memref<1x128x128xf32, #tpu.memory_space<vmem>> -> memref<128x128xf32, #tpu.memory_space<vmem>>
      tpu.enqueue_dma source(%dma_start3A_630 : memref<128x128xf32, #tpu.memory_space<vmem>>) target(%dma_start3A_626 : memref<128x128xf32, #tpu.memory_space<hbm>>) target_semaphore(%arg19 : memref<!tpu.dma_semaphore, #tpu.memory_space<semaphore_mem>>)
      %dma_wait3A_631 = arith.constant 0 : i32
      %dma_wait3A_632 = arith.constant 6 : i32
      %dma_wait3A_633 = arith.constant 0 : i32
      %dma_wait3A_634 = arith.constant 0 : i32
      %dma_wait3A_635 = tpu.memref_slice %arg6[%dma_wait3A_632, %dma_wait3A_633, %dma_wait3A_634] : memref<7x128x128xf32, #tpu.memory_space<vmem>> -> memref<1x128x128xf32, #tpu.memory_space<vmem>>
      %dma_wait3A_636 = tpu.memref_squeeze %dma_wait3A_635 : memref<1x128x128xf32, #tpu.memory_space<vmem>> -> memref<128x128xf32, #tpu.memory_space<vmem>>
      %dma_wait3A_637 = arith.constant 0 : i32
      %dma_wait3A_638 = tpu.memref_slice %arg5[%dma_wait3A_631, %dma_wait3A_637] : memref<50x128xi32, #tpu.memory_space<vmem>> -> memref<1x128xi32, #tpu.memory_space<vmem>>
      %dma_wait3A_639 = tpu.memref_squeeze %dma_wait3A_638 : memref<1x128xi32, #tpu.memory_space<vmem>> -> memref<128xi32, #tpu.memory_space<vmem>>
      %dma_wait3A_640 = arith.constant 0 : i32
      %dma_wait3A_641 = arith.constant 0 : i32
      %dma_wait3A_642 = tpu.memref_slice %arg3[%dma_wait3A_640, %dma_wait3A_641] : memref<100000x128xf32, #tpu.memory_space<hbm>> -> memref<100000x128xf32, #tpu.memory_space<hbm>>
      tpu.wait_indirect_dma semaphore(%arg13 : memref<!tpu.dma_semaphore, #tpu.memory_space<semaphore_mem>>) src(%dma_wait3A_642 : memref<100000x128xf32, #tpu.memory_space<hbm>>) dst(%dma_wait3A_636 : memref<128x128xf32, #tpu.memory_space<vmem>>)
      %add3A_643 = arith.constant 6 : i32
      %add3A_644 = arith.addi %mul3A_456, %add3A_643 : i32
      %dma_start3A_645 = arith.constant 6 : i32
      %dma_start3A_646 = arith.constant 0 : i32
      %dma_start3A_647 = arith.constant 0 : i32
      %dma_start3A_648 = tpu.memref_slice %arg6[%dma_start3A_645, %dma_start3A_646, %dma_start3A_647] : memref<7x128x128xf32, #tpu.memory_space<vmem>> -> memref<1x128x128xf32, #tpu.memory_space<vmem>>
      %dma_start3A_649 = tpu.memref_squeeze %dma_start3A_648 : memref<1x128x128xf32, #tpu.memory_space<vmem>> -> memref<128x128xf32, #tpu.memory_space<vmem>>
      %dma_start3A_650 = arith.constant 0 : i32
      %dma_start3A_651 = tpu.memref_slice %arg4[%add3A_644, %mul3A_2, %dma_start3A_650] : memref<50x4096x128xf32, #tpu.memory_space<hbm>> -> memref<1x128x128xf32, #tpu.memory_space<hbm>>
      %dma_start3A_652 = tpu.memref_squeeze %dma_start3A_651 : memref<1x128x128xf32, #tpu.memory_space<hbm>> -> memref<128x128xf32, #tpu.memory_space<hbm>>
      %dma_start3A_653 = arith.constant 0 : i32
      %dma_start3A_654 = tpu.memref_slice %arg4[%add3A_644, %mul3A_2, %dma_start3A_653] : memref<50x4096x128xf32, #tpu.memory_space<hbm>> -> memref<1x128x128xf32, #tpu.memory_space<hbm>>
      %dma_start3A_655 = tpu.memref_squeeze %dma_start3A_654 : memref<1x128x128xf32, #tpu.memory_space<hbm>> -> memref<128x128xf32, #tpu.memory_space<hbm>>
      %dma_start3A_656 = arith.constant 0 : i32
      %dma_start3A_657 = arith.constant 0 : i32
      %dma_start3A_658 = tpu.memref_slice %arg6[%dma_start3A_645, %dma_start3A_656, %dma_start3A_657] : memref<7x128x128xf32, #tpu.memory_space<vmem>> -> memref<1x128x128xf32, #tpu.memory_space<vmem>>
      %dma_start3A_659 = tpu.memref_squeeze %dma_start3A_658 : memref<1x128x128xf32, #tpu.memory_space<vmem>> -> memref<128x128xf32, #tpu.memory_space<vmem>>
      tpu.enqueue_dma source(%dma_start3A_659 : memref<128x128xf32, #tpu.memory_space<vmem>>) target(%dma_start3A_655 : memref<128x128xf32, #tpu.memory_space<hbm>>) target_semaphore(%arg20 : memref<!tpu.dma_semaphore, #tpu.memory_space<semaphore_mem>>)
      %dma_wait3A_660 = arith.constant 0 : i32
      %dma_wait3A_661 = arith.constant 0 : i32
      %dma_wait3A_662 = arith.constant 0 : i32
      %dma_wait3A_663 = arith.constant 0 : i32
      %dma_wait3A_664 = tpu.memref_slice %arg6[%dma_wait3A_660, %dma_wait3A_662, %dma_wait3A_663] : memref<7x128x128xf32, #tpu.memory_space<vmem>> -> memref<1x128x128xf32, #tpu.memory_space<vmem>>
      %dma_wait3A_665 = tpu.memref_squeeze %dma_wait3A_664 : memref<1x128x128xf32, #tpu.memory_space<vmem>> -> memref<128x128xf32, #tpu.memory_space<vmem>>
      %dma_wait3A_666 = arith.constant 0 : i32
      %dma_wait3A_667 = tpu.memref_slice %arg4[%dma_wait3A_661, %mul3A_2, %dma_wait3A_666] : memref<50x4096x128xf32, #tpu.memory_space<hbm>> -> memref<1x128x128xf32, #tpu.memory_space<hbm>>
      %dma_wait3A_668 = tpu.memref_squeeze %dma_wait3A_667 : memref<1x128x128xf32, #tpu.memory_space<hbm>> -> memref<128x128xf32, #tpu.memory_space<hbm>>
      %dma_wait3A_669 = arith.constant 0 : i32
      %dma_wait3A_670 = tpu.memref_slice %arg4[%dma_wait3A_661, %mul3A_2, %dma_wait3A_669] : memref<50x4096x128xf32, #tpu.memory_space<hbm>> -> memref<1x128x128xf32, #tpu.memory_space<hbm>>
      %dma_wait3A_671 = tpu.memref_squeeze %dma_wait3A_670 : memref<1x128x128xf32, #tpu.memory_space<hbm>> -> memref<128x128xf32, #tpu.memory_space<hbm>>
      %dma_wait3A_672 = arith.constant 0 : i32
      %dma_wait3A_673 = arith.constant 0 : i32
      %dma_wait3A_674 = tpu.memref_slice %arg6[%dma_wait3A_660, %dma_wait3A_672, %dma_wait3A_673] : memref<7x128x128xf32, #tpu.memory_space<vmem>> -> memref<1x128x128xf32, #tpu.memory_space<vmem>>
      %dma_wait3A_675 = tpu.memref_squeeze %dma_wait3A_674 : memref<1x128x128xf32, #tpu.memory_space<vmem>> -> memref<128x128xf32, #tpu.memory_space<vmem>>
      tpu.wait_dma2 semaphore(%arg14 : memref<!tpu.dma_semaphore, #tpu.memory_space<semaphore_mem>>) src(%dma_wait3A_675 : memref<128x128xf32, #tpu.memory_space<vmem>>) dst(%dma_wait3A_671 : memref<128x128xf32, #tpu.memory_space<hbm>>)
      %add3A_676 = arith.constant 7 : i32
      %add3A_677 = arith.addi %mul3A_456, %add3A_676 : i32
      %add3A_678 = arith.constant 0 : i32
      %add3A_679 = arith.addi %add3A_677, %add3A_678 : i32
      %dma_start3A_680 = arith.constant 0 : i32
      %dma_start3A_681 = arith.constant 0 : i32
      %dma_start3A_682 = arith.constant 0 : i32
      %dma_start3A_683 = tpu.memref_slice %arg6[%dma_start3A_680, %dma_start3A_681, %dma_start3A_682] : memref<7x128x128xf32, #tpu.memory_space<vmem>> -> memref<1x128x128xf32, #tpu.memory_space<vmem>>
      %dma_start3A_684 = tpu.memref_squeeze %dma_start3A_683 : memref<1x128x128xf32, #tpu.memory_space<vmem>> -> memref<128x128xf32, #tpu.memory_space<vmem>>
      %dma_start3A_685 = arith.constant 0 : i32
      %dma_start3A_686 = tpu.memref_slice %arg5[%add3A_679, %dma_start3A_685] : memref<50x128xi32, #tpu.memory_space<vmem>> -> memref<1x128xi32, #tpu.memory_space<vmem>>
      %dma_start3A_687 = tpu.memref_squeeze %dma_start3A_686 : memref<1x128xi32, #tpu.memory_space<vmem>> -> memref<128xi32, #tpu.memory_space<vmem>>
      %dma_start3A_688 = arith.constant 0 : i32
      %dma_start3A_689 = arith.constant 0 : i32
      %dma_start3A_690 = tpu.memref_slice %arg3[%dma_start3A_688, %dma_start3A_689] : memref<100000x128xf32, #tpu.memory_space<hbm>> -> memref<100000x128xf32, #tpu.memory_space<hbm>>
      tpu.enqueue_indirect_dma source(%dma_start3A_690 : memref<100000x128xf32, #tpu.memory_space<hbm>>) target(%dma_start3A_684 : memref<128x128xf32, #tpu.memory_space<vmem>>) offsets(%dma_start3A_687 : memref<128xi32, #tpu.memory_space<vmem>>) semaphore(%arg7 : memref<!tpu.dma_semaphore, #tpu.memory_space<semaphore_mem>>)
      %dma_wait3A_691 = arith.constant 1 : i32
      %dma_wait3A_692 = arith.constant 0 : i32
      %dma_wait3A_693 = arith.constant 0 : i32
      %dma_wait3A_694 = arith.constant 0 : i32
      %dma_wait3A_695 = tpu.memref_slice %arg6[%dma_wait3A_691, %dma_wait3A_693, %dma_wait3A_694] : memref<7x128x128xf32, #tpu.memory_space<vmem>> -> memref<1x128x128xf32, #tpu.memory_space<vmem>>
      %dma_wait3A_696 = tpu.memref_squeeze %dma_wait3A_695 : memref<1x128x128xf32, #tpu.memory_space<vmem>> -> memref<128x128xf32, #tpu.memory_space<vmem>>
      %dma_wait3A_697 = arith.constant 0 : i32
      %dma_wait3A_698 = tpu.memref_slice %arg4[%dma_wait3A_692, %mul3A_2, %dma_wait3A_697] : memref<50x4096x128xf32, #tpu.memory_space<hbm>> -> memref<1x128x128xf32, #tpu.memory_space<hbm>>
      %dma_wait3A_699 = tpu.memref_squeeze %dma_wait3A_698 : memref<1x128x128xf32, #tpu.memory_space<hbm>> -> memref<128x128xf32, #tpu.memory_space<hbm>>
      %dma_wait3A_700 = arith.constant 0 : i32
      %dma_wait3A_701 = tpu.memref_slice %arg4[%dma_wait3A_692, %mul3A_2, %dma_wait3A_700] : memref<50x4096x128xf32, #tpu.memory_space<hbm>> -> memref<1x128x128xf32, #tpu.memory_space<hbm>>
      %dma_wait3A_702 = tpu.memref_squeeze %dma_wait3A_701 : memref<1x128x128xf32, #tpu.memory_space<hbm>> -> memref<128x128xf32, #tpu.memory_space<hbm>>
      %dma_wait3A_703 = arith.constant 0 : i32
      %dma_wait3A_704 = arith.constant 0 : i32
      %dma_wait3A_705 = tpu.memref_slice %arg6[%dma_wait3A_691, %dma_wait3A_703, %dma_wait3A_704] : memref<7x128x128xf32, #tpu.memory_space<vmem>> -> memref<1x128x128xf32, #tpu.memory_space<vmem>>
      %dma_wait3A_706 = tpu.memref_squeeze %dma_wait3A_705 : memref<1x128x128xf32, #tpu.memory_space<vmem>> -> memref<128x128xf32, #tpu.memory_space<vmem>>
      tpu.wait_dma2 semaphore(%arg15 : memref<!tpu.dma_semaphore, #tpu.memory_space<semaphore_mem>>) src(%dma_wait3A_706 : memref<128x128xf32, #tpu.memory_space<vmem>>) dst(%dma_wait3A_702 : memref<128x128xf32, #tpu.memory_space<hbm>>)
      %add3A_707 = arith.constant 7 : i32
      %add3A_708 = arith.addi %mul3A_456, %add3A_707 : i32
      %add3A_709 = arith.constant 1 : i32
      %add3A_710 = arith.addi %add3A_708, %add3A_709 : i32
      %dma_start3A_711 = arith.constant 1 : i32
      %dma_start3A_712 = arith.constant 0 : i32
      %dma_start3A_713 = arith.constant 0 : i32
      %dma_start3A_714 = tpu.memref_slice %arg6[%dma_start3A_711, %dma_start3A_712, %dma_start3A_713] : memref<7x128x128xf32, #tpu.memory_space<vmem>> -> memref<1x128x128xf32, #tpu.memory_space<vmem>>
      %dma_start3A_715 = tpu.memref_squeeze %dma_start3A_714 : memref<1x128x128xf32, #tpu.memory_space<vmem>> -> memref<128x128xf32, #tpu.memory_space<vmem>>
      %dma_start3A_716 = arith.constant 0 : i32
      %dma_start3A_717 = tpu.memref_slice %arg5[%add3A_710, %dma_start3A_716] : memref<50x128xi32, #tpu.memory_space<vmem>> -> memref<1x128xi32, #tpu.memory_space<vmem>>
      %dma_start3A_718 = tpu.memref_squeeze %dma_start3A_717 : memref<1x128xi32, #tpu.memory_space<vmem>> -> memref<128xi32, #tpu.memory_space<vmem>>
      %dma_start3A_719 = arith.constant 0 : i32
      %dma_start3A_720 = arith.constant 0 : i32
      %dma_start3A_721 = tpu.memref_slice %arg3[%dma_start3A_719, %dma_start3A_720] : memref<100000x128xf32, #tpu.memory_space<hbm>> -> memref<100000x128xf32, #tpu.memory_space<hbm>>
      tpu.enqueue_indirect_dma source(%dma_start3A_721 : memref<100000x128xf32, #tpu.memory_space<hbm>>) target(%dma_start3A_715 : memref<128x128xf32, #tpu.memory_space<vmem>>) offsets(%dma_start3A_718 : memref<128xi32, #tpu.memory_space<vmem>>) semaphore(%arg8 : memref<!tpu.dma_semaphore, #tpu.memory_space<semaphore_mem>>)
      %dma_wait3A_722 = arith.constant 2 : i32
      %dma_wait3A_723 = arith.constant 0 : i32
      %dma_wait3A_724 = arith.constant 0 : i32
      %dma_wait3A_725 = arith.constant 0 : i32
      %dma_wait3A_726 = tpu.memref_slice %arg6[%dma_wait3A_722, %dma_wait3A_724, %dma_wait3A_725] : memref<7x128x128xf32, #tpu.memory_space<vmem>> -> memref<1x128x128xf32, #tpu.memory_space<vmem>>
      %dma_wait3A_727 = tpu.memref_squeeze %dma_wait3A_726 : memref<1x128x128xf32, #tpu.memory_space<vmem>> -> memref<128x128xf32, #tpu.memory_space<vmem>>
      %dma_wait3A_728 = arith.constant 0 : i32
      %dma_wait3A_729 = tpu.memref_slice %arg4[%dma_wait3A_723, %mul3A_2, %dma_wait3A_728] : memref<50x4096x128xf32, #tpu.memory_space<hbm>> -> memref<1x128x128xf32, #tpu.memory_space<hbm>>
      %dma_wait3A_730 = tpu.memref_squeeze %dma_wait3A_729 : memref<1x128x128xf32, #tpu.memory_space<hbm>> -> memref<128x128xf32, #tpu.memory_space<hbm>>
      %dma_wait3A_731 = arith.constant 0 : i32
      %dma_wait3A_732 = tpu.memref_slice %arg4[%dma_wait3A_723, %mul3A_2, %dma_wait3A_731] : memref<50x4096x128xf32, #tpu.memory_space<hbm>> -> memref<1x128x128xf32, #tpu.memory_space<hbm>>
      %dma_wait3A_733 = tpu.memref_squeeze %dma_wait3A_732 : memref<1x128x128xf32, #tpu.memory_space<hbm>> -> memref<128x128xf32, #tpu.memory_space<hbm>>
      %dma_wait3A_734 = arith.constant 0 : i32
      %dma_wait3A_735 = arith.constant 0 : i32
      %dma_wait3A_736 = tpu.memref_slice %arg6[%dma_wait3A_722, %dma_wait3A_734, %dma_wait3A_735] : memref<7x128x128xf32, #tpu.memory_space<vmem>> -> memref<1x128x128xf32, #tpu.memory_space<vmem>>
      %dma_wait3A_737 = tpu.memref_squeeze %dma_wait3A_736 : memref<1x128x128xf32, #tpu.memory_space<vmem>> -> memref<128x128xf32, #tpu.memory_space<vmem>>
      tpu.wait_dma2 semaphore(%arg16 : memref<!tpu.dma_semaphore, #tpu.memory_space<semaphore_mem>>) src(%dma_wait3A_737 : memref<128x128xf32, #tpu.memory_space<vmem>>) dst(%dma_wait3A_733 : memref<128x128xf32, #tpu.memory_space<hbm>>)
      %add3A_738 = arith.constant 7 : i32
      %add3A_739 = arith.addi %mul3A_456, %add3A_738 : i32
      %add3A_740 = arith.constant 2 : i32
      %add3A_741 = arith.addi %add3A_739, %add3A_740 : i32
      %dma_start3A_742 = arith.constant 2 : i32
      %dma_start3A_743 = arith.constant 0 : i32
      %dma_start3A_744 = arith.constant 0 : i32
      %dma_start3A_745 = tpu.memref_slice %arg6[%dma_start3A_742, %dma_start3A_743, %dma_start3A_744] : memref<7x128x128xf32, #tpu.memory_space<vmem>> -> memref<1x128x128xf32, #tpu.memory_space<vmem>>
      %dma_start3A_746 = tpu.memref_squeeze %dma_start3A_745 : memref<1x128x128xf32, #tpu.memory_space<vmem>> -> memref<128x128xf32, #tpu.memory_space<vmem>>
      %dma_start3A_747 = arith.constant 0 : i32
      %dma_start3A_748 = tpu.memref_slice %arg5[%add3A_741, %dma_start3A_747] : memref<50x128xi32, #tpu.memory_space<vmem>> -> memref<1x128xi32, #tpu.memory_space<vmem>>
      %dma_start3A_749 = tpu.memref_squeeze %dma_start3A_748 : memref<1x128xi32, #tpu.memory_space<vmem>> -> memref<128xi32, #tpu.memory_space<vmem>>
      %dma_start3A_750 = arith.constant 0 : i32
      %dma_start3A_751 = arith.constant 0 : i32
      %dma_start3A_752 = tpu.memref_slice %arg3[%dma_start3A_750, %dma_start3A_751] : memref<100000x128xf32, #tpu.memory_space<hbm>> -> memref<100000x128xf32, #tpu.memory_space<hbm>>
      tpu.enqueue_indirect_dma source(%dma_start3A_752 : memref<100000x128xf32, #tpu.memory_space<hbm>>) target(%dma_start3A_746 : memref<128x128xf32, #tpu.memory_space<vmem>>) offsets(%dma_start3A_749 : memref<128xi32, #tpu.memory_space<vmem>>) semaphore(%arg9 : memref<!tpu.dma_semaphore, #tpu.memory_space<semaphore_mem>>)
      %dma_wait3A_753 = arith.constant 3 : i32
      %dma_wait3A_754 = arith.constant 0 : i32
      %dma_wait3A_755 = arith.constant 0 : i32
      %dma_wait3A_756 = arith.constant 0 : i32
      %dma_wait3A_757 = tpu.memref_slice %arg6[%dma_wait3A_753, %dma_wait3A_755, %dma_wait3A_756] : memref<7x128x128xf32, #tpu.memory_space<vmem>> -> memref<1x128x128xf32, #tpu.memory_space<vmem>>
      %dma_wait3A_758 = tpu.memref_squeeze %dma_wait3A_757 : memref<1x128x128xf32, #tpu.memory_space<vmem>> -> memref<128x128xf32, #tpu.memory_space<vmem>>
      %dma_wait3A_759 = arith.constant 0 : i32
      %dma_wait3A_760 = tpu.memref_slice %arg4[%dma_wait3A_754, %mul3A_2, %dma_wait3A_759] : memref<50x4096x128xf32, #tpu.memory_space<hbm>> -> memref<1x128x128xf32, #tpu.memory_space<hbm>>
      %dma_wait3A_761 = tpu.memref_squeeze %dma_wait3A_760 : memref<1x128x128xf32, #tpu.memory_space<hbm>> -> memref<128x128xf32, #tpu.memory_space<hbm>>
      %dma_wait3A_762 = arith.constant 0 : i32
      %dma_wait3A_763 = tpu.memref_slice %arg4[%dma_wait3A_754, %mul3A_2, %dma_wait3A_762] : memref<50x4096x128xf32, #tpu.memory_space<hbm>> -> memref<1x128x128xf32, #tpu.memory_space<hbm>>
      %dma_wait3A_764 = tpu.memref_squeeze %dma_wait3A_763 : memref<1x128x128xf32, #tpu.memory_space<hbm>> -> memref<128x128xf32, #tpu.memory_space<hbm>>
      %dma_wait3A_765 = arith.constant 0 : i32
      %dma_wait3A_766 = arith.constant 0 : i32
      %dma_wait3A_767 = tpu.memref_slice %arg6[%dma_wait3A_753, %dma_wait3A_765, %dma_wait3A_766] : memref<7x128x128xf32, #tpu.memory_space<vmem>> -> memref<1x128x128xf32, #tpu.memory_space<vmem>>
      %dma_wait3A_768 = tpu.memref_squeeze %dma_wait3A_767 : memref<1x128x128xf32, #tpu.memory_space<vmem>> -> memref<128x128xf32, #tpu.memory_space<vmem>>
      tpu.wait_dma2 semaphore(%arg17 : memref<!tpu.dma_semaphore, #tpu.memory_space<semaphore_mem>>) src(%dma_wait3A_768 : memref<128x128xf32, #tpu.memory_space<vmem>>) dst(%dma_wait3A_764 : memref<128x128xf32, #tpu.memory_space<hbm>>)
      %add3A_769 = arith.constant 7 : i32
      %add3A_770 = arith.addi %mul3A_456, %add3A_769 : i32
      %add3A_771 = arith.constant 3 : i32
      %add3A_772 = arith.addi %add3A_770, %add3A_771 : i32
      %dma_start3A_773 = arith.constant 3 : i32
      %dma_start3A_774 = arith.constant 0 : i32
      %dma_start3A_775 = arith.constant 0 : i32
      %dma_start3A_776 = tpu.memref_slice %arg6[%dma_start3A_773, %dma_start3A_774, %dma_start3A_775] : memref<7x128x128xf32, #tpu.memory_space<vmem>> -> memref<1x128x128xf32, #tpu.memory_space<vmem>>
      %dma_start3A_777 = tpu.memref_squeeze %dma_start3A_776 : memref<1x128x128xf32, #tpu.memory_space<vmem>> -> memref<128x128xf32, #tpu.memory_space<vmem>>
      %dma_start3A_778 = arith.constant 0 : i32
      %dma_start3A_779 = tpu.memref_slice %arg5[%add3A_772, %dma_start3A_778] : memref<50x128xi32, #tpu.memory_space<vmem>> -> memref<1x128xi32, #tpu.memory_space<vmem>>
      %dma_start3A_780 = tpu.memref_squeeze %dma_start3A_779 : memref<1x128xi32, #tpu.memory_space<vmem>> -> memref<128xi32, #tpu.memory_space<vmem>>
      %dma_start3A_781 = arith.constant 0 : i32
      %dma_start3A_782 = arith.constant 0 : i32
      %dma_start3A_783 = tpu.memref_slice %arg3[%dma_start3A_781, %dma_start3A_782] : memref<100000x128xf32, #tpu.memory_space<hbm>> -> memref<100000x128xf32, #tpu.memory_space<hbm>>
      tpu.enqueue_indirect_dma source(%dma_start3A_783 : memref<100000x128xf32, #tpu.memory_space<hbm>>) target(%dma_start3A_777 : memref<128x128xf32, #tpu.memory_space<vmem>>) offsets(%dma_start3A_780 : memref<128xi32, #tpu.memory_space<vmem>>) semaphore(%arg10 : memref<!tpu.dma_semaphore, #tpu.memory_space<semaphore_mem>>)
      %dma_wait3A_784 = arith.constant 4 : i32
      %dma_wait3A_785 = arith.constant 0 : i32
      %dma_wait3A_786 = arith.constant 0 : i32
      %dma_wait3A_787 = arith.constant 0 : i32
      %dma_wait3A_788 = tpu.memref_slice %arg6[%dma_wait3A_784, %dma_wait3A_786, %dma_wait3A_787] : memref<7x128x128xf32, #tpu.memory_space<vmem>> -> memref<1x128x128xf32, #tpu.memory_space<vmem>>
      %dma_wait3A_789 = tpu.memref_squeeze %dma_wait3A_788 : memref<1x128x128xf32, #tpu.memory_space<vmem>> -> memref<128x128xf32, #tpu.memory_space<vmem>>
      %dma_wait3A_790 = arith.constant 0 : i32
      %dma_wait3A_791 = tpu.memref_slice %arg4[%dma_wait3A_785, %mul3A_2, %dma_wait3A_790] : memref<50x4096x128xf32, #tpu.memory_space<hbm>> -> memref<1x128x128xf32, #tpu.memory_space<hbm>>
      %dma_wait3A_792 = tpu.memref_squeeze %dma_wait3A_791 : memref<1x128x128xf32, #tpu.memory_space<hbm>> -> memref<128x128xf32, #tpu.memory_space<hbm>>
      %dma_wait3A_793 = arith.constant 0 : i32
      %dma_wait3A_794 = tpu.memref_slice %arg4[%dma_wait3A_785, %mul3A_2, %dma_wait3A_793] : memref<50x4096x128xf32, #tpu.memory_space<hbm>> -> memref<1x128x128xf32, #tpu.memory_space<hbm>>
      %dma_wait3A_795 = tpu.memref_squeeze %dma_wait3A_794 : memref<1x128x128xf32, #tpu.memory_space<hbm>> -> memref<128x128xf32, #tpu.memory_space<hbm>>
      %dma_wait3A_796 = arith.constant 0 : i32
      %dma_wait3A_797 = arith.constant 0 : i32
      %dma_wait3A_798 = tpu.memref_slice %arg6[%dma_wait3A_784, %dma_wait3A_796, %dma_wait3A_797] : memref<7x128x128xf32, #tpu.memory_space<vmem>> -> memref<1x128x128xf32, #tpu.memory_space<vmem>>
      %dma_wait3A_799 = tpu.memref_squeeze %dma_wait3A_798 : memref<1x128x128xf32, #tpu.memory_space<vmem>> -> memref<128x128xf32, #tpu.memory_space<vmem>>
      tpu.wait_dma2 semaphore(%arg18 : memref<!tpu.dma_semaphore, #tpu.memory_space<semaphore_mem>>) src(%dma_wait3A_799 : memref<128x128xf32, #tpu.memory_space<vmem>>) dst(%dma_wait3A_795 : memref<128x128xf32, #tpu.memory_space<hbm>>)
      %add3A_800 = arith.constant 7 : i32
      %add3A_801 = arith.addi %mul3A_456, %add3A_800 : i32
      %add3A_802 = arith.constant 4 : i32
      %add3A_803 = arith.addi %add3A_801, %add3A_802 : i32
      %dma_start3A_804 = arith.constant 4 : i32
      %dma_start3A_805 = arith.constant 0 : i32
      %dma_start3A_806 = arith.constant 0 : i32
      %dma_start3A_807 = tpu.memref_slice %arg6[%dma_start3A_804, %dma_start3A_805, %dma_start3A_806] : memref<7x128x128xf32, #tpu.memory_space<vmem>> -> memref<1x128x128xf32, #tpu.memory_space<vmem>>
      %dma_start3A_808 = tpu.memref_squeeze %dma_start3A_807 : memref<1x128x128xf32, #tpu.memory_space<vmem>> -> memref<128x128xf32, #tpu.memory_space<vmem>>
      %dma_start3A_809 = arith.constant 0 : i32
      %dma_start3A_810 = tpu.memref_slice %arg5[%add3A_803, %dma_start3A_809] : memref<50x128xi32, #tpu.memory_space<vmem>> -> memref<1x128xi32, #tpu.memory_space<vmem>>
      %dma_start3A_811 = tpu.memref_squeeze %dma_start3A_810 : memref<1x128xi32, #tpu.memory_space<vmem>> -> memref<128xi32, #tpu.memory_space<vmem>>
      %dma_start3A_812 = arith.constant 0 : i32
      %dma_start3A_813 = arith.constant 0 : i32
      %dma_start3A_814 = tpu.memref_slice %arg3[%dma_start3A_812, %dma_start3A_813] : memref<100000x128xf32, #tpu.memory_space<hbm>> -> memref<100000x128xf32, #tpu.memory_space<hbm>>
      tpu.enqueue_indirect_dma source(%dma_start3A_814 : memref<100000x128xf32, #tpu.memory_space<hbm>>) target(%dma_start3A_808 : memref<128x128xf32, #tpu.memory_space<vmem>>) offsets(%dma_start3A_811 : memref<128xi32, #tpu.memory_space<vmem>>) semaphore(%arg11 : memref<!tpu.dma_semaphore, #tpu.memory_space<semaphore_mem>>)
      %dma_wait3A_815 = arith.constant 5 : i32
      %dma_wait3A_816 = arith.constant 0 : i32
      %dma_wait3A_817 = arith.constant 0 : i32
      %dma_wait3A_818 = arith.constant 0 : i32
      %dma_wait3A_819 = tpu.memref_slice %arg6[%dma_wait3A_815, %dma_wait3A_817, %dma_wait3A_818] : memref<7x128x128xf32, #tpu.memory_space<vmem>> -> memref<1x128x128xf32, #tpu.memory_space<vmem>>
      %dma_wait3A_820 = tpu.memref_squeeze %dma_wait3A_819 : memref<1x128x128xf32, #tpu.memory_space<vmem>> -> memref<128x128xf32, #tpu.memory_space<vmem>>
      %dma_wait3A_821 = arith.constant 0 : i32
      %dma_wait3A_822 = tpu.memref_slice %arg4[%dma_wait3A_816, %mul3A_2, %dma_wait3A_821] : memref<50x4096x128xf32, #tpu.memory_space<hbm>> -> memref<1x128x128xf32, #tpu.memory_space<hbm>>
      %dma_wait3A_823 = tpu.memref_squeeze %dma_wait3A_822 : memref<1x128x128xf32, #tpu.memory_space<hbm>> -> memref<128x128xf32, #tpu.memory_space<hbm>>
      %dma_wait3A_824 = arith.constant 0 : i32
      %dma_wait3A_825 = tpu.memref_slice %arg4[%dma_wait3A_816, %mul3A_2, %dma_wait3A_824] : memref<50x4096x128xf32, #tpu.memory_space<hbm>> -> memref<1x128x128xf32, #tpu.memory_space<hbm>>
      %dma_wait3A_826 = tpu.memref_squeeze %dma_wait3A_825 : memref<1x128x128xf32, #tpu.memory_space<hbm>> -> memref<128x128xf32, #tpu.memory_space<hbm>>
      %dma_wait3A_827 = arith.constant 0 : i32
      %dma_wait3A_828 = arith.constant 0 : i32
      %dma_wait3A_829 = tpu.memref_slice %arg6[%dma_wait3A_815, %dma_wait3A_827, %dma_wait3A_828] : memref<7x128x128xf32, #tpu.memory_space<vmem>> -> memref<1x128x128xf32, #tpu.memory_space<vmem>>
      %dma_wait3A_830 = tpu.memref_squeeze %dma_wait3A_829 : memref<1x128x128xf32, #tpu.memory_space<vmem>> -> memref<128x128xf32, #tpu.memory_space<vmem>>
      tpu.wait_dma2 semaphore(%arg19 : memref<!tpu.dma_semaphore, #tpu.memory_space<semaphore_mem>>) src(%dma_wait3A_830 : memref<128x128xf32, #tpu.memory_space<vmem>>) dst(%dma_wait3A_826 : memref<128x128xf32, #tpu.memory_space<hbm>>)
      %add3A_831 = arith.constant 7 : i32
      %add3A_832 = arith.addi %mul3A_456, %add3A_831 : i32
      %add3A_833 = arith.constant 5 : i32
      %add3A_834 = arith.addi %add3A_832, %add3A_833 : i32
      %dma_start3A_835 = arith.constant 5 : i32
      %dma_start3A_836 = arith.constant 0 : i32
      %dma_start3A_837 = arith.constant 0 : i32
      %dma_start3A_838 = tpu.memref_slice %arg6[%dma_start3A_835, %dma_start3A_836, %dma_start3A_837] : memref<7x128x128xf32, #tpu.memory_space<vmem>> -> memref<1x128x128xf32, #tpu.memory_space<vmem>>
      %dma_start3A_839 = tpu.memref_squeeze %dma_start3A_838 : memref<1x128x128xf32, #tpu.memory_space<vmem>> -> memref<128x128xf32, #tpu.memory_space<vmem>>
      %dma_start3A_840 = arith.constant 0 : i32
      %dma_start3A_841 = tpu.memref_slice %arg5[%add3A_834, %dma_start3A_840] : memref<50x128xi32, #tpu.memory_space<vmem>> -> memref<1x128xi32, #tpu.memory_space<vmem>>
      %dma_start3A_842 = tpu.memref_squeeze %dma_start3A_841 : memref<1x128xi32, #tpu.memory_space<vmem>> -> memref<128xi32, #tpu.memory_space<vmem>>
      %dma_start3A_843 = arith.constant 0 : i32
      %dma_start3A_844 = arith.constant 0 : i32
      %dma_start3A_845 = tpu.memref_slice %arg3[%dma_start3A_843, %dma_start3A_844] : memref<100000x128xf32, #tpu.memory_space<hbm>> -> memref<100000x128xf32, #tpu.memory_space<hbm>>
      tpu.enqueue_indirect_dma source(%dma_start3A_845 : memref<100000x128xf32, #tpu.memory_space<hbm>>) target(%dma_start3A_839 : memref<128x128xf32, #tpu.memory_space<vmem>>) offsets(%dma_start3A_842 : memref<128xi32, #tpu.memory_space<vmem>>) semaphore(%arg12 : memref<!tpu.dma_semaphore, #tpu.memory_space<semaphore_mem>>)
      %dma_wait3A_846 = arith.constant 6 : i32
      %dma_wait3A_847 = arith.constant 0 : i32
      %dma_wait3A_848 = arith.constant 0 : i32
      %dma_wait3A_849 = arith.constant 0 : i32
      %dma_wait3A_850 = tpu.memref_slice %arg6[%dma_wait3A_846, %dma_wait3A_848, %dma_wait3A_849] : memref<7x128x128xf32, #tpu.memory_space<vmem>> -> memref<1x128x128xf32, #tpu.memory_space<vmem>>
      %dma_wait3A_851 = tpu.memref_squeeze %dma_wait3A_850 : memref<1x128x128xf32, #tpu.memory_space<vmem>> -> memref<128x128xf32, #tpu.memory_space<vmem>>
      %dma_wait3A_852 = arith.constant 0 : i32
      %dma_wait3A_853 = tpu.memref_slice %arg4[%dma_wait3A_847, %mul3A_2, %dma_wait3A_852] : memref<50x4096x128xf32, #tpu.memory_space<hbm>> -> memref<1x128x128xf32, #tpu.memory_space<hbm>>
      %dma_wait3A_854 = tpu.memref_squeeze %dma_wait3A_853 : memref<1x128x128xf32, #tpu.memory_space<hbm>> -> memref<128x128xf32, #tpu.memory_space<hbm>>
      %dma_wait3A_855 = arith.constant 0 : i32
      %dma_wait3A_856 = tpu.memref_slice %arg4[%dma_wait3A_847, %mul3A_2, %dma_wait3A_855] : memref<50x4096x128xf32, #tpu.memory_space<hbm>> -> memref<1x128x128xf32, #tpu.memory_space<hbm>>
      %dma_wait3A_857 = tpu.memref_squeeze %dma_wait3A_856 : memref<1x128x128xf32, #tpu.memory_space<hbm>> -> memref<128x128xf32, #tpu.memory_space<hbm>>
      %dma_wait3A_858 = arith.constant 0 : i32
      %dma_wait3A_859 = arith.constant 0 : i32
      %dma_wait3A_860 = tpu.memref_slice %arg6[%dma_wait3A_846, %dma_wait3A_858, %dma_wait3A_859] : memref<7x128x128xf32, #tpu.memory_space<vmem>> -> memref<1x128x128xf32, #tpu.memory_space<vmem>>
      %dma_wait3A_861 = tpu.memref_squeeze %dma_wait3A_860 : memref<1x128x128xf32, #tpu.memory_space<vmem>> -> memref<128x128xf32, #tpu.memory_space<vmem>>
      tpu.wait_dma2 semaphore(%arg20 : memref<!tpu.dma_semaphore, #tpu.memory_space<semaphore_mem>>) src(%dma_wait3A_861 : memref<128x128xf32, #tpu.memory_space<vmem>>) dst(%dma_wait3A_857 : memref<128x128xf32, #tpu.memory_space<hbm>>)
      %add3A_862 = arith.constant 7 : i32
      %add3A_863 = arith.addi %mul3A_456, %add3A_862 : i32
      %add3A_864 = arith.constant 6 : i32
      %add3A_865 = arith.addi %add3A_863, %add3A_864 : i32
      %dma_start3A_866 = arith.constant 6 : i32
      %dma_start3A_867 = arith.constant 0 : i32
      %dma_start3A_868 = arith.constant 0 : i32
      %dma_start3A_869 = tpu.memref_slice %arg6[%dma_start3A_866, %dma_start3A_867, %dma_start3A_868] : memref<7x128x128xf32, #tpu.memory_space<vmem>> -> memref<1x128x128xf32, #tpu.memory_space<vmem>>
      %dma_start3A_870 = tpu.memref_squeeze %dma_start3A_869 : memref<1x128x128xf32, #tpu.memory_space<vmem>> -> memref<128x128xf32, #tpu.memory_space<vmem>>
      %dma_start3A_871 = arith.constant 0 : i32
      %dma_start3A_872 = tpu.memref_slice %arg5[%add3A_865, %dma_start3A_871] : memref<50x128xi32, #tpu.memory_space<vmem>> -> memref<1x128xi32, #tpu.memory_space<vmem>>
      %dma_start3A_873 = tpu.memref_squeeze %dma_start3A_872 : memref<1x128xi32, #tpu.memory_space<vmem>> -> memref<128xi32, #tpu.memory_space<vmem>>
      %dma_start3A_874 = arith.constant 0 : i32
      %dma_start3A_875 = arith.constant 0 : i32
      %dma_start3A_876 = tpu.memref_slice %arg3[%dma_start3A_874, %dma_start3A_875] : memref<100000x128xf32, #tpu.memory_space<hbm>> -> memref<100000x128xf32, #tpu.memory_space<hbm>>
      tpu.enqueue_indirect_dma source(%dma_start3A_876 : memref<100000x128xf32, #tpu.memory_space<hbm>>) target(%dma_start3A_870 : memref<128x128xf32, #tpu.memory_space<vmem>>) offsets(%dma_start3A_873 : memref<128xi32, #tpu.memory_space<vmem>>) semaphore(%arg13 : memref<!tpu.dma_semaphore, #tpu.memory_space<semaphore_mem>>)
    }
    %scan3A_90 = arith.constant 6 : i32
    %dma_wait3A = arith.constant 0 : i32
    %dma_wait3A_91 = arith.constant 0 : i32
    %dma_wait3A_92 = arith.constant 0 : i32
    %dma_wait3A_93 = arith.constant 0 : i32
    %dma_wait3A_94 = tpu.memref_slice %arg6[%dma_wait3A_91, %dma_wait3A_92, %dma_wait3A_93] : memref<7x128x128xf32, #tpu.memory_space<vmem>> -> memref<1x128x128xf32, #tpu.memory_space<vmem>>
    %dma_wait3A_95 = tpu.memref_squeeze %dma_wait3A_94 : memref<1x128x128xf32, #tpu.memory_space<vmem>> -> memref<128x128xf32, #tpu.memory_space<vmem>>
    %dma_wait3A_96 = arith.constant 0 : i32
    %dma_wait3A_97 = tpu.memref_slice %arg5[%dma_wait3A, %dma_wait3A_96] : memref<50x128xi32, #tpu.memory_space<vmem>> -> memref<1x128xi32, #tpu.memory_space<vmem>>
    %dma_wait3A_98 = tpu.memref_squeeze %dma_wait3A_97 : memref<1x128xi32, #tpu.memory_space<vmem>> -> memref<128xi32, #tpu.memory_space<vmem>>
    %dma_wait3A_99 = arith.constant 0 : i32
    %dma_wait3A_100 = arith.constant 0 : i32
    %dma_wait3A_101 = tpu.memref_slice %arg3[%dma_wait3A_99, %dma_wait3A_100] : memref<100000x128xf32, #tpu.memory_space<hbm>> -> memref<100000x128xf32, #tpu.memory_space<hbm>>
    tpu.wait_indirect_dma semaphore(%arg7 : memref<!tpu.dma_semaphore, #tpu.memory_space<semaphore_mem>>) src(%dma_wait3A_101 : memref<100000x128xf32, #tpu.memory_space<hbm>>) dst(%dma_wait3A_95 : memref<128x128xf32, #tpu.memory_space<vmem>>)
    %dma_start3A_102 = arith.constant 0 : i32
    %dma_start3A_103 = arith.constant 42 : i32
    %dma_start3A_104 = arith.constant 0 : i32
    %dma_start3A_105 = arith.constant 0 : i32
    %dma_start3A_106 = tpu.memref_slice %arg6[%dma_start3A_102, %dma_start3A_104, %dma_start3A_105] : memref<7x128x128xf32, #tpu.memory_space<vmem>> -> memref<1x128x128xf32, #tpu.memory_space<vmem>>
    %dma_start3A_107 = tpu.memref_squeeze %dma_start3A_106 : memref<1x128x128xf32, #tpu.memory_space<vmem>> -> memref<128x128xf32, #tpu.memory_space<vmem>>
    %dma_start3A_108 = arith.constant 0 : i32
    %dma_start3A_109 = tpu.memref_slice %arg4[%dma_start3A_103, %mul3A_2, %dma_start3A_108] : memref<50x4096x128xf32, #tpu.memory_space<hbm>> -> memref<1x128x128xf32, #tpu.memory_space<hbm>>
    %dma_start3A_110 = tpu.memref_squeeze %dma_start3A_109 : memref<1x128x128xf32, #tpu.memory_space<hbm>> -> memref<128x128xf32, #tpu.memory_space<hbm>>
    %dma_start3A_111 = arith.constant 0 : i32
    %dma_start3A_112 = tpu.memref_slice %arg4[%dma_start3A_103, %mul3A_2, %dma_start3A_111] : memref<50x4096x128xf32, #tpu.memory_space<hbm>> -> memref<1x128x128xf32, #tpu.memory_space<hbm>>
    %dma_start3A_113 = tpu.memref_squeeze %dma_start3A_112 : memref<1x128x128xf32, #tpu.memory_space<hbm>> -> memref<128x128xf32, #tpu.memory_space<hbm>>
    %dma_start3A_114 = arith.constant 0 : i32
    %dma_start3A_115 = arith.constant 0 : i32
    %dma_start3A_116 = tpu.memref_slice %arg6[%dma_start3A_102, %dma_start3A_114, %dma_start3A_115] : memref<7x128x128xf32, #tpu.memory_space<vmem>> -> memref<1x128x128xf32, #tpu.memory_space<vmem>>
    %dma_start3A_117 = tpu.memref_squeeze %dma_start3A_116 : memref<1x128x128xf32, #tpu.memory_space<vmem>> -> memref<128x128xf32, #tpu.memory_space<vmem>>
    tpu.enqueue_dma source(%dma_start3A_117 : memref<128x128xf32, #tpu.memory_space<vmem>>) target(%dma_start3A_113 : memref<128x128xf32, #tpu.memory_space<hbm>>) target_semaphore(%arg14 : memref<!tpu.dma_semaphore, #tpu.memory_space<semaphore_mem>>)
    %dma_wait3A_118 = arith.constant 0 : i32
    %dma_wait3A_119 = arith.constant 1 : i32
    %dma_wait3A_120 = arith.constant 0 : i32
    %dma_wait3A_121 = arith.constant 0 : i32
    %dma_wait3A_122 = tpu.memref_slice %arg6[%dma_wait3A_119, %dma_wait3A_120, %dma_wait3A_121] : memref<7x128x128xf32, #tpu.memory_space<vmem>> -> memref<1x128x128xf32, #tpu.memory_space<vmem>>
    %dma_wait3A_123 = tpu.memref_squeeze %dma_wait3A_122 : memref<1x128x128xf32, #tpu.memory_space<vmem>> -> memref<128x128xf32, #tpu.memory_space<vmem>>
    %dma_wait3A_124 = arith.constant 0 : i32
    %dma_wait3A_125 = tpu.memref_slice %arg5[%dma_wait3A_118, %dma_wait3A_124] : memref<50x128xi32, #tpu.memory_space<vmem>> -> memref<1x128xi32, #tpu.memory_space<vmem>>
    %dma_wait3A_126 = tpu.memref_squeeze %dma_wait3A_125 : memref<1x128xi32, #tpu.memory_space<vmem>> -> memref<128xi32, #tpu.memory_space<vmem>>
    %dma_wait3A_127 = arith.constant 0 : i32
    %dma_wait3A_128 = arith.constant 0 : i32
    %dma_wait3A_129 = tpu.memref_slice %arg3[%dma_wait3A_127, %dma_wait3A_128] : memref<100000x128xf32, #tpu.memory_space<hbm>> -> memref<100000x128xf32, #tpu.memory_space<hbm>>
    tpu.wait_indirect_dma semaphore(%arg8 : memref<!tpu.dma_semaphore, #tpu.memory_space<semaphore_mem>>) src(%dma_wait3A_129 : memref<100000x128xf32, #tpu.memory_space<hbm>>) dst(%dma_wait3A_123 : memref<128x128xf32, #tpu.memory_space<vmem>>)
    %dma_start3A_130 = arith.constant 1 : i32
    %dma_start3A_131 = arith.constant 43 : i32
    %dma_start3A_132 = arith.constant 0 : i32
    %dma_start3A_133 = arith.constant 0 : i32
    %dma_start3A_134 = tpu.memref_slice %arg6[%dma_start3A_130, %dma_start3A_132, %dma_start3A_133] : memref<7x128x128xf32, #tpu.memory_space<vmem>> -> memref<1x128x128xf32, #tpu.memory_space<vmem>>
    %dma_start3A_135 = tpu.memref_squeeze %dma_start3A_134 : memref<1x128x128xf32, #tpu.memory_space<vmem>> -> memref<128x128xf32, #tpu.memory_space<vmem>>
    %dma_start3A_136 = arith.constant 0 : i32
    %dma_start3A_137 = tpu.memref_slice %arg4[%dma_start3A_131, %mul3A_2, %dma_start3A_136] : memref<50x4096x128xf32, #tpu.memory_space<hbm>> -> memref<1x128x128xf32, #tpu.memory_space<hbm>>
    %dma_start3A_138 = tpu.memref_squeeze %dma_start3A_137 : memref<1x128x128xf32, #tpu.memory_space<hbm>> -> memref<128x128xf32, #tpu.memory_space<hbm>>
    %dma_start3A_139 = arith.constant 0 : i32
    %dma_start3A_140 = tpu.memref_slice %arg4[%dma_start3A_131, %mul3A_2, %dma_start3A_139] : memref<50x4096x128xf32, #tpu.memory_space<hbm>> -> memref<1x128x128xf32, #tpu.memory_space<hbm>>
    %dma_start3A_141 = tpu.memref_squeeze %dma_start3A_140 : memref<1x128x128xf32, #tpu.memory_space<hbm>> -> memref<128x128xf32, #tpu.memory_space<hbm>>
    %dma_start3A_142 = arith.constant 0 : i32
    %dma_start3A_143 = arith.constant 0 : i32
    %dma_start3A_144 = tpu.memref_slice %arg6[%dma_start3A_130, %dma_start3A_142, %dma_start3A_143] : memref<7x128x128xf32, #tpu.memory_space<vmem>> -> memref<1x128x128xf32, #tpu.memory_space<vmem>>
    %dma_start3A_145 = tpu.memref_squeeze %dma_start3A_144 : memref<1x128x128xf32, #tpu.memory_space<vmem>> -> memref<128x128xf32, #tpu.memory_space<vmem>>
    tpu.enqueue_dma source(%dma_start3A_145 : memref<128x128xf32, #tpu.memory_space<vmem>>) target(%dma_start3A_141 : memref<128x128xf32, #tpu.memory_space<hbm>>) target_semaphore(%arg15 : memref<!tpu.dma_semaphore, #tpu.memory_space<semaphore_mem>>)
    %dma_wait3A_146 = arith.constant 0 : i32
    %dma_wait3A_147 = arith.constant 2 : i32
    %dma_wait3A_148 = arith.constant 0 : i32
    %dma_wait3A_149 = arith.constant 0 : i32
    %dma_wait3A_150 = tpu.memref_slice %arg6[%dma_wait3A_147, %dma_wait3A_148, %dma_wait3A_149] : memref<7x128x128xf32, #tpu.memory_space<vmem>> -> memref<1x128x128xf32, #tpu.memory_space<vmem>>
    %dma_wait3A_151 = tpu.memref_squeeze %dma_wait3A_150 : memref<1x128x128xf32, #tpu.memory_space<vmem>> -> memref<128x128xf32, #tpu.memory_space<vmem>>
    %dma_wait3A_152 = arith.constant 0 : i32
    %dma_wait3A_153 = tpu.memref_slice %arg5[%dma_wait3A_146, %dma_wait3A_152] : memref<50x128xi32, #tpu.memory_space<vmem>> -> memref<1x128xi32, #tpu.memory_space<vmem>>
    %dma_wait3A_154 = tpu.memref_squeeze %dma_wait3A_153 : memref<1x128xi32, #tpu.memory_space<vmem>> -> memref<128xi32, #tpu.memory_space<vmem>>
    %dma_wait3A_155 = arith.constant 0 : i32
    %dma_wait3A_156 = arith.constant 0 : i32
    %dma_wait3A_157 = tpu.memref_slice %arg3[%dma_wait3A_155, %dma_wait3A_156] : memref<100000x128xf32, #tpu.memory_space<hbm>> -> memref<100000x128xf32, #tpu.memory_space<hbm>>
    tpu.wait_indirect_dma semaphore(%arg9 : memref<!tpu.dma_semaphore, #tpu.memory_space<semaphore_mem>>) src(%dma_wait3A_157 : memref<100000x128xf32, #tpu.memory_space<hbm>>) dst(%dma_wait3A_151 : memref<128x128xf32, #tpu.memory_space<vmem>>)
    %dma_start3A_158 = arith.constant 2 : i32
    %dma_start3A_159 = arith.constant 44 : i32
    %dma_start3A_160 = arith.constant 0 : i32
    %dma_start3A_161 = arith.constant 0 : i32
    %dma_start3A_162 = tpu.memref_slice %arg6[%dma_start3A_158, %dma_start3A_160, %dma_start3A_161] : memref<7x128x128xf32, #tpu.memory_space<vmem>> -> memref<1x128x128xf32, #tpu.memory_space<vmem>>
    %dma_start3A_163 = tpu.memref_squeeze %dma_start3A_162 : memref<1x128x128xf32, #tpu.memory_space<vmem>> -> memref<128x128xf32, #tpu.memory_space<vmem>>
    %dma_start3A_164 = arith.constant 0 : i32
    %dma_start3A_165 = tpu.memref_slice %arg4[%dma_start3A_159, %mul3A_2, %dma_start3A_164] : memref<50x4096x128xf32, #tpu.memory_space<hbm>> -> memref<1x128x128xf32, #tpu.memory_space<hbm>>
    %dma_start3A_166 = tpu.memref_squeeze %dma_start3A_165 : memref<1x128x128xf32, #tpu.memory_space<hbm>> -> memref<128x128xf32, #tpu.memory_space<hbm>>
    %dma_start3A_167 = arith.constant 0 : i32
    %dma_start3A_168 = tpu.memref_slice %arg4[%dma_start3A_159, %mul3A_2, %dma_start3A_167] : memref<50x4096x128xf32, #tpu.memory_space<hbm>> -> memref<1x128x128xf32, #tpu.memory_space<hbm>>
    %dma_start3A_169 = tpu.memref_squeeze %dma_start3A_168 : memref<1x128x128xf32, #tpu.memory_space<hbm>> -> memref<128x128xf32, #tpu.memory_space<hbm>>
    %dma_start3A_170 = arith.constant 0 : i32
    %dma_start3A_171 = arith.constant 0 : i32
    %dma_start3A_172 = tpu.memref_slice %arg6[%dma_start3A_158, %dma_start3A_170, %dma_start3A_171] : memref<7x128x128xf32, #tpu.memory_space<vmem>> -> memref<1x128x128xf32, #tpu.memory_space<vmem>>
    %dma_start3A_173 = tpu.memref_squeeze %dma_start3A_172 : memref<1x128x128xf32, #tpu.memory_space<vmem>> -> memref<128x128xf32, #tpu.memory_space<vmem>>
    tpu.enqueue_dma source(%dma_start3A_173 : memref<128x128xf32, #tpu.memory_space<vmem>>) target(%dma_start3A_169 : memref<128x128xf32, #tpu.memory_space<hbm>>) target_semaphore(%arg16 : memref<!tpu.dma_semaphore, #tpu.memory_space<semaphore_mem>>)
    %dma_wait3A_174 = arith.constant 0 : i32
    %dma_wait3A_175 = arith.constant 3 : i32
    %dma_wait3A_176 = arith.constant 0 : i32
    %dma_wait3A_177 = arith.constant 0 : i32
    %dma_wait3A_178 = tpu.memref_slice %arg6[%dma_wait3A_175, %dma_wait3A_176, %dma_wait3A_177] : memref<7x128x128xf32, #tpu.memory_space<vmem>> -> memref<1x128x128xf32, #tpu.memory_space<vmem>>
    %dma_wait3A_179 = tpu.memref_squeeze %dma_wait3A_178 : memref<1x128x128xf32, #tpu.memory_space<vmem>> -> memref<128x128xf32, #tpu.memory_space<vmem>>
    %dma_wait3A_180 = arith.constant 0 : i32
    %dma_wait3A_181 = tpu.memref_slice %arg5[%dma_wait3A_174, %dma_wait3A_180] : memref<50x128xi32, #tpu.memory_space<vmem>> -> memref<1x128xi32, #tpu.memory_space<vmem>>
    %dma_wait3A_182 = tpu.memref_squeeze %dma_wait3A_181 : memref<1x128xi32, #tpu.memory_space<vmem>> -> memref<128xi32, #tpu.memory_space<vmem>>
    %dma_wait3A_183 = arith.constant 0 : i32
    %dma_wait3A_184 = arith.constant 0 : i32
    %dma_wait3A_185 = tpu.memref_slice %arg3[%dma_wait3A_183, %dma_wait3A_184] : memref<100000x128xf32, #tpu.memory_space<hbm>> -> memref<100000x128xf32, #tpu.memory_space<hbm>>
    tpu.wait_indirect_dma semaphore(%arg10 : memref<!tpu.dma_semaphore, #tpu.memory_space<semaphore_mem>>) src(%dma_wait3A_185 : memref<100000x128xf32, #tpu.memory_space<hbm>>) dst(%dma_wait3A_179 : memref<128x128xf32, #tpu.memory_space<vmem>>)
    %dma_start3A_186 = arith.constant 3 : i32
    %dma_start3A_187 = arith.constant 45 : i32
    %dma_start3A_188 = arith.constant 0 : i32
    %dma_start3A_189 = arith.constant 0 : i32
    %dma_start3A_190 = tpu.memref_slice %arg6[%dma_start3A_186, %dma_start3A_188, %dma_start3A_189] : memref<7x128x128xf32, #tpu.memory_space<vmem>> -> memref<1x128x128xf32, #tpu.memory_space<vmem>>
    %dma_start3A_191 = tpu.memref_squeeze %dma_start3A_190 : memref<1x128x128xf32, #tpu.memory_space<vmem>> -> memref<128x128xf32, #tpu.memory_space<vmem>>
    %dma_start3A_192 = arith.constant 0 : i32
    %dma_start3A_193 = tpu.memref_slice %arg4[%dma_start3A_187, %mul3A_2, %dma_start3A_192] : memref<50x4096x128xf32, #tpu.memory_space<hbm>> -> memref<1x128x128xf32, #tpu.memory_space<hbm>>
    %dma_start3A_194 = tpu.memref_squeeze %dma_start3A_193 : memref<1x128x128xf32, #tpu.memory_space<hbm>> -> memref<128x128xf32, #tpu.memory_space<hbm>>
    %dma_start3A_195 = arith.constant 0 : i32
    %dma_start3A_196 = tpu.memref_slice %arg4[%dma_start3A_187, %mul3A_2, %dma_start3A_195] : memref<50x4096x128xf32, #tpu.memory_space<hbm>> -> memref<1x128x128xf32, #tpu.memory_space<hbm>>
    %dma_start3A_197 = tpu.memref_squeeze %dma_start3A_196 : memref<1x128x128xf32, #tpu.memory_space<hbm>> -> memref<128x128xf32, #tpu.memory_space<hbm>>
    %dma_start3A_198 = arith.constant 0 : i32
    %dma_start3A_199 = arith.constant 0 : i32
    %dma_start3A_200 = tpu.memref_slice %arg6[%dma_start3A_186, %dma_start3A_198, %dma_start3A_199] : memref<7x128x128xf32, #tpu.memory_space<vmem>> -> memref<1x128x128xf32, #tpu.memory_space<vmem>>
    %dma_start3A_201 = tpu.memref_squeeze %dma_start3A_200 : memref<1x128x128xf32, #tpu.memory_space<vmem>> -> memref<128x128xf32, #tpu.memory_space<vmem>>
    tpu.enqueue_dma source(%dma_start3A_201 : memref<128x128xf32, #tpu.memory_space<vmem>>) target(%dma_start3A_197 : memref<128x128xf32, #tpu.memory_space<hbm>>) target_semaphore(%arg17 : memref<!tpu.dma_semaphore, #tpu.memory_space<semaphore_mem>>)
    %dma_wait3A_202 = arith.constant 0 : i32
    %dma_wait3A_203 = arith.constant 4 : i32
    %dma_wait3A_204 = arith.constant 0 : i32
    %dma_wait3A_205 = arith.constant 0 : i32
    %dma_wait3A_206 = tpu.memref_slice %arg6[%dma_wait3A_203, %dma_wait3A_204, %dma_wait3A_205] : memref<7x128x128xf32, #tpu.memory_space<vmem>> -> memref<1x128x128xf32, #tpu.memory_space<vmem>>
    %dma_wait3A_207 = tpu.memref_squeeze %dma_wait3A_206 : memref<1x128x128xf32, #tpu.memory_space<vmem>> -> memref<128x128xf32, #tpu.memory_space<vmem>>
    %dma_wait3A_208 = arith.constant 0 : i32
    %dma_wait3A_209 = tpu.memref_slice %arg5[%dma_wait3A_202, %dma_wait3A_208] : memref<50x128xi32, #tpu.memory_space<vmem>> -> memref<1x128xi32, #tpu.memory_space<vmem>>
    %dma_wait3A_210 = tpu.memref_squeeze %dma_wait3A_209 : memref<1x128xi32, #tpu.memory_space<vmem>> -> memref<128xi32, #tpu.memory_space<vmem>>
    %dma_wait3A_211 = arith.constant 0 : i32
    %dma_wait3A_212 = arith.constant 0 : i32
    %dma_wait3A_213 = tpu.memref_slice %arg3[%dma_wait3A_211, %dma_wait3A_212] : memref<100000x128xf32, #tpu.memory_space<hbm>> -> memref<100000x128xf32, #tpu.memory_space<hbm>>
    tpu.wait_indirect_dma semaphore(%arg11 : memref<!tpu.dma_semaphore, #tpu.memory_space<semaphore_mem>>) src(%dma_wait3A_213 : memref<100000x128xf32, #tpu.memory_space<hbm>>) dst(%dma_wait3A_207 : memref<128x128xf32, #tpu.memory_space<vmem>>)
    %dma_start3A_214 = arith.constant 4 : i32
    %dma_start3A_215 = arith.constant 46 : i32
    %dma_start3A_216 = arith.constant 0 : i32
    %dma_start3A_217 = arith.constant 0 : i32
    %dma_start3A_218 = tpu.memref_slice %arg6[%dma_start3A_214, %dma_start3A_216, %dma_start3A_217] : memref<7x128x128xf32, #tpu.memory_space<vmem>> -> memref<1x128x128xf32, #tpu.memory_space<vmem>>
    %dma_start3A_219 = tpu.memref_squeeze %dma_start3A_218 : memref<1x128x128xf32, #tpu.memory_space<vmem>> -> memref<128x128xf32, #tpu.memory_space<vmem>>
    %dma_start3A_220 = arith.constant 0 : i32
    %dma_start3A_221 = tpu.memref_slice %arg4[%dma_start3A_215, %mul3A_2, %dma_start3A_220] : memref<50x4096x128xf32, #tpu.memory_space<hbm>> -> memref<1x128x128xf32, #tpu.memory_space<hbm>>
    %dma_start3A_222 = tpu.memref_squeeze %dma_start3A_221 : memref<1x128x128xf32, #tpu.memory_space<hbm>> -> memref<128x128xf32, #tpu.memory_space<hbm>>
    %dma_start3A_223 = arith.constant 0 : i32
    %dma_start3A_224 = tpu.memref_slice %arg4[%dma_start3A_215, %mul3A_2, %dma_start3A_223] : memref<50x4096x128xf32, #tpu.memory_space<hbm>> -> memref<1x128x128xf32, #tpu.memory_space<hbm>>
    %dma_start3A_225 = tpu.memref_squeeze %dma_start3A_224 : memref<1x128x128xf32, #tpu.memory_space<hbm>> -> memref<128x128xf32, #tpu.memory_space<hbm>>
    %dma_start3A_226 = arith.constant 0 : i32
    %dma_start3A_227 = arith.constant 0 : i32
    %dma_start3A_228 = tpu.memref_slice %arg6[%dma_start3A_214, %dma_start3A_226, %dma_start3A_227] : memref<7x128x128xf32, #tpu.memory_space<vmem>> -> memref<1x128x128xf32, #tpu.memory_space<vmem>>
    %dma_start3A_229 = tpu.memref_squeeze %dma_start3A_228 : memref<1x128x128xf32, #tpu.memory_space<vmem>> -> memref<128x128xf32, #tpu.memory_space<vmem>>
    tpu.enqueue_dma source(%dma_start3A_229 : memref<128x128xf32, #tpu.memory_space<vmem>>) target(%dma_start3A_225 : memref<128x128xf32, #tpu.memory_space<hbm>>) target_semaphore(%arg18 : memref<!tpu.dma_semaphore, #tpu.memory_space<semaphore_mem>>)
    %dma_wait3A_230 = arith.constant 0 : i32
    %dma_wait3A_231 = arith.constant 5 : i32
    %dma_wait3A_232 = arith.constant 0 : i32
    %dma_wait3A_233 = arith.constant 0 : i32
    %dma_wait3A_234 = tpu.memref_slice %arg6[%dma_wait3A_231, %dma_wait3A_232, %dma_wait3A_233] : memref<7x128x128xf32, #tpu.memory_space<vmem>> -> memref<1x128x128xf32, #tpu.memory_space<vmem>>
    %dma_wait3A_235 = tpu.memref_squeeze %dma_wait3A_234 : memref<1x128x128xf32, #tpu.memory_space<vmem>> -> memref<128x128xf32, #tpu.memory_space<vmem>>
    %dma_wait3A_236 = arith.constant 0 : i32
    %dma_wait3A_237 = tpu.memref_slice %arg5[%dma_wait3A_230, %dma_wait3A_236] : memref<50x128xi32, #tpu.memory_space<vmem>> -> memref<1x128xi32, #tpu.memory_space<vmem>>
    %dma_wait3A_238 = tpu.memref_squeeze %dma_wait3A_237 : memref<1x128xi32, #tpu.memory_space<vmem>> -> memref<128xi32, #tpu.memory_space<vmem>>
    %dma_wait3A_239 = arith.constant 0 : i32
    %dma_wait3A_240 = arith.constant 0 : i32
    %dma_wait3A_241 = tpu.memref_slice %arg3[%dma_wait3A_239, %dma_wait3A_240] : memref<100000x128xf32, #tpu.memory_space<hbm>> -> memref<100000x128xf32, #tpu.memory_space<hbm>>
    tpu.wait_indirect_dma semaphore(%arg12 : memref<!tpu.dma_semaphore, #tpu.memory_space<semaphore_mem>>) src(%dma_wait3A_241 : memref<100000x128xf32, #tpu.memory_space<hbm>>) dst(%dma_wait3A_235 : memref<128x128xf32, #tpu.memory_space<vmem>>)
    %dma_start3A_242 = arith.constant 5 : i32
    %dma_start3A_243 = arith.constant 47 : i32
    %dma_start3A_244 = arith.constant 0 : i32
    %dma_start3A_245 = arith.constant 0 : i32
    %dma_start3A_246 = tpu.memref_slice %arg6[%dma_start3A_242, %dma_start3A_244, %dma_start3A_245] : memref<7x128x128xf32, #tpu.memory_space<vmem>> -> memref<1x128x128xf32, #tpu.memory_space<vmem>>
    %dma_start3A_247 = tpu.memref_squeeze %dma_start3A_246 : memref<1x128x128xf32, #tpu.memory_space<vmem>> -> memref<128x128xf32, #tpu.memory_space<vmem>>
    %dma_start3A_248 = arith.constant 0 : i32
    %dma_start3A_249 = tpu.memref_slice %arg4[%dma_start3A_243, %mul3A_2, %dma_start3A_248] : memref<50x4096x128xf32, #tpu.memory_space<hbm>> -> memref<1x128x128xf32, #tpu.memory_space<hbm>>
    %dma_start3A_250 = tpu.memref_squeeze %dma_start3A_249 : memref<1x128x128xf32, #tpu.memory_space<hbm>> -> memref<128x128xf32, #tpu.memory_space<hbm>>
    %dma_start3A_251 = arith.constant 0 : i32
    %dma_start3A_252 = tpu.memref_slice %arg4[%dma_start3A_243, %mul3A_2, %dma_start3A_251] : memref<50x4096x128xf32, #tpu.memory_space<hbm>> -> memref<1x128x128xf32, #tpu.memory_space<hbm>>
    %dma_start3A_253 = tpu.memref_squeeze %dma_start3A_252 : memref<1x128x128xf32, #tpu.memory_space<hbm>> -> memref<128x128xf32, #tpu.memory_space<hbm>>
    %dma_start3A_254 = arith.constant 0 : i32
    %dma_start3A_255 = arith.constant 0 : i32
    %dma_start3A_256 = tpu.memref_slice %arg6[%dma_start3A_242, %dma_start3A_254, %dma_start3A_255] : memref<7x128x128xf32, #tpu.memory_space<vmem>> -> memref<1x128x128xf32, #tpu.memory_space<vmem>>
    %dma_start3A_257 = tpu.memref_squeeze %dma_start3A_256 : memref<1x128x128xf32, #tpu.memory_space<vmem>> -> memref<128x128xf32, #tpu.memory_space<vmem>>
    tpu.enqueue_dma source(%dma_start3A_257 : memref<128x128xf32, #tpu.memory_space<vmem>>) target(%dma_start3A_253 : memref<128x128xf32, #tpu.memory_space<hbm>>) target_semaphore(%arg19 : memref<!tpu.dma_semaphore, #tpu.memory_space<semaphore_mem>>)
    %dma_wait3A_258 = arith.constant 0 : i32
    %dma_wait3A_259 = arith.constant 6 : i32
    %dma_wait3A_260 = arith.constant 0 : i32
    %dma_wait3A_261 = arith.constant 0 : i32
    %dma_wait3A_262 = tpu.memref_slice %arg6[%dma_wait3A_259, %dma_wait3A_260, %dma_wait3A_261] : memref<7x128x128xf32, #tpu.memory_space<vmem>> -> memref<1x128x128xf32, #tpu.memory_space<vmem>>
    %dma_wait3A_263 = tpu.memref_squeeze %dma_wait3A_262 : memref<1x128x128xf32, #tpu.memory_space<vmem>> -> memref<128x128xf32, #tpu.memory_space<vmem>>
    %dma_wait3A_264 = arith.constant 0 : i32
    %dma_wait3A_265 = tpu.memref_slice %arg5[%dma_wait3A_258, %dma_wait3A_264] : memref<50x128xi32, #tpu.memory_space<vmem>> -> memref<1x128xi32, #tpu.memory_space<vmem>>
    %dma_wait3A_266 = tpu.memref_squeeze %dma_wait3A_265 : memref<1x128xi32, #tpu.memory_space<vmem>> -> memref<128xi32, #tpu.memory_space<vmem>>
    %dma_wait3A_267 = arith.constant 0 : i32
    %dma_wait3A_268 = arith.constant 0 : i32
    %dma_wait3A_269 = tpu.memref_slice %arg3[%dma_wait3A_267, %dma_wait3A_268] : memref<100000x128xf32, #tpu.memory_space<hbm>> -> memref<100000x128xf32, #tpu.memory_space<hbm>>
    tpu.wait_indirect_dma semaphore(%arg13 : memref<!tpu.dma_semaphore, #tpu.memory_space<semaphore_mem>>) src(%dma_wait3A_269 : memref<100000x128xf32, #tpu.memory_space<hbm>>) dst(%dma_wait3A_263 : memref<128x128xf32, #tpu.memory_space<vmem>>)
    %dma_start3A_270 = arith.constant 6 : i32
    %dma_start3A_271 = arith.constant 48 : i32
    %dma_start3A_272 = arith.constant 0 : i32
    %dma_start3A_273 = arith.constant 0 : i32
    %dma_start3A_274 = tpu.memref_slice %arg6[%dma_start3A_270, %dma_start3A_272, %dma_start3A_273] : memref<7x128x128xf32, #tpu.memory_space<vmem>> -> memref<1x128x128xf32, #tpu.memory_space<vmem>>
    %dma_start3A_275 = tpu.memref_squeeze %dma_start3A_274 : memref<1x128x128xf32, #tpu.memory_space<vmem>> -> memref<128x128xf32, #tpu.memory_space<vmem>>
    %dma_start3A_276 = arith.constant 0 : i32
    %dma_start3A_277 = tpu.memref_slice %arg4[%dma_start3A_271, %mul3A_2, %dma_start3A_276] : memref<50x4096x128xf32, #tpu.memory_space<hbm>> -> memref<1x128x128xf32, #tpu.memory_space<hbm>>
    %dma_start3A_278 = tpu.memref_squeeze %dma_start3A_277 : memref<1x128x128xf32, #tpu.memory_space<hbm>> -> memref<128x128xf32, #tpu.memory_space<hbm>>
    %dma_start3A_279 = arith.constant 0 : i32
    %dma_start3A_280 = tpu.memref_slice %arg4[%dma_start3A_271, %mul3A_2, %dma_start3A_279] : memref<50x4096x128xf32, #tpu.memory_space<hbm>> -> memref<1x128x128xf32, #tpu.memory_space<hbm>>
    %dma_start3A_281 = tpu.memref_squeeze %dma_start3A_280 : memref<1x128x128xf32, #tpu.memory_space<hbm>> -> memref<128x128xf32, #tpu.memory_space<hbm>>
    %dma_start3A_282 = arith.constant 0 : i32
    %dma_start3A_283 = arith.constant 0 : i32
    %dma_start3A_284 = tpu.memref_slice %arg6[%dma_start3A_270, %dma_start3A_282, %dma_start3A_283] : memref<7x128x128xf32, #tpu.memory_space<vmem>> -> memref<1x128x128xf32, #tpu.memory_space<vmem>>
    %dma_start3A_285 = tpu.memref_squeeze %dma_start3A_284 : memref<1x128x128xf32, #tpu.memory_space<vmem>> -> memref<128x128xf32, #tpu.memory_space<vmem>>
    tpu.enqueue_dma source(%dma_start3A_285 : memref<128x128xf32, #tpu.memory_space<vmem>>) target(%dma_start3A_281 : memref<128x128xf32, #tpu.memory_space<hbm>>) target_semaphore(%arg20 : memref<!tpu.dma_semaphore, #tpu.memory_space<semaphore_mem>>)
    %dma_wait3A_286 = arith.constant 0 : i32
    %dma_wait3A_287 = arith.constant 0 : i32
    %dma_wait3A_288 = arith.constant 0 : i32
    %dma_wait3A_289 = arith.constant 0 : i32
    %dma_wait3A_290 = tpu.memref_slice %arg6[%dma_wait3A_286, %dma_wait3A_288, %dma_wait3A_289] : memref<7x128x128xf32, #tpu.memory_space<vmem>> -> memref<1x128x128xf32, #tpu.memory_space<vmem>>
    %dma_wait3A_291 = tpu.memref_squeeze %dma_wait3A_290 : memref<1x128x128xf32, #tpu.memory_space<vmem>> -> memref<128x128xf32, #tpu.memory_space<vmem>>
    %dma_wait3A_292 = arith.constant 0 : i32
    %dma_wait3A_293 = tpu.memref_slice %arg4[%dma_wait3A_287, %mul3A_2, %dma_wait3A_292] : memref<50x4096x128xf32, #tpu.memory_space<hbm>> -> memref<1x128x128xf32, #tpu.memory_space<hbm>>
    %dma_wait3A_294 = tpu.memref_squeeze %dma_wait3A_293 : memref<1x128x128xf32, #tpu.memory_space<hbm>> -> memref<128x128xf32, #tpu.memory_space<hbm>>
    %dma_wait3A_295 = arith.constant 0 : i32
    %dma_wait3A_296 = tpu.memref_slice %arg4[%dma_wait3A_287, %mul3A_2, %dma_wait3A_295] : memref<50x4096x128xf32, #tpu.memory_space<hbm>> -> memref<1x128x128xf32, #tpu.memory_space<hbm>>
    %dma_wait3A_297 = tpu.memref_squeeze %dma_wait3A_296 : memref<1x128x128xf32, #tpu.memory_space<hbm>> -> memref<128x128xf32, #tpu.memory_space<hbm>>
    %dma_wait3A_298 = arith.constant 0 : i32
    %dma_wait3A_299 = arith.constant 0 : i32
    %dma_wait3A_300 = tpu.memref_slice %arg6[%dma_wait3A_286, %dma_wait3A_298, %dma_wait3A_299] : memref<7x128x128xf32, #tpu.memory_space<vmem>> -> memref<1x128x128xf32, #tpu.memory_space<vmem>>
    %dma_wait3A_301 = tpu.memref_squeeze %dma_wait3A_300 : memref<1x128x128xf32, #tpu.memory_space<vmem>> -> memref<128x128xf32, #tpu.memory_space<vmem>>
    tpu.wait_dma2 semaphore(%arg14 : memref<!tpu.dma_semaphore, #tpu.memory_space<semaphore_mem>>) src(%dma_wait3A_301 : memref<128x128xf32, #tpu.memory_space<vmem>>) dst(%dma_wait3A_297 : memref<128x128xf32, #tpu.memory_space<hbm>>)
    %dma_start3A_302 = arith.constant 49 : i32
    %dma_start3A_303 = arith.constant 0 : i32
    %dma_start3A_304 = arith.constant 0 : i32
    %dma_start3A_305 = arith.constant 0 : i32
    %dma_start3A_306 = tpu.memref_slice %arg6[%dma_start3A_303, %dma_start3A_304, %dma_start3A_305] : memref<7x128x128xf32, #tpu.memory_space<vmem>> -> memref<1x128x128xf32, #tpu.memory_space<vmem>>
    %dma_start3A_307 = tpu.memref_squeeze %dma_start3A_306 : memref<1x128x128xf32, #tpu.memory_space<vmem>> -> memref<128x128xf32, #tpu.memory_space<vmem>>
    %dma_start3A_308 = arith.constant 0 : i32
    %dma_start3A_309 = tpu.memref_slice %arg5[%dma_start3A_302, %dma_start3A_308] : memref<50x128xi32, #tpu.memory_space<vmem>> -> memref<1x128xi32, #tpu.memory_space<vmem>>
    %dma_start3A_310 = tpu.memref_squeeze %dma_start3A_309 : memref<1x128xi32, #tpu.memory_space<vmem>> -> memref<128xi32, #tpu.memory_space<vmem>>
    %dma_start3A_311 = arith.constant 0 : i32
    %dma_start3A_312 = arith.constant 0 : i32
    %dma_start3A_313 = tpu.memref_slice %arg3[%dma_start3A_311, %dma_start3A_312] : memref<100000x128xf32, #tpu.memory_space<hbm>> -> memref<100000x128xf32, #tpu.memory_space<hbm>>
    tpu.enqueue_indirect_dma source(%dma_start3A_313 : memref<100000x128xf32, #tpu.memory_space<hbm>>) target(%dma_start3A_307 : memref<128x128xf32, #tpu.memory_space<vmem>>) offsets(%dma_start3A_310 : memref<128xi32, #tpu.memory_space<vmem>>) semaphore(%arg7 : memref<!tpu.dma_semaphore, #tpu.memory_space<semaphore_mem>>)
    %dma_wait3A_314 = arith.constant 0 : i32
    %dma_wait3A_315 = arith.constant 0 : i32
    %dma_wait3A_316 = arith.constant 0 : i32
    %dma_wait3A_317 = arith.constant 0 : i32
    %dma_wait3A_318 = tpu.memref_slice %arg6[%dma_wait3A_315, %dma_wait3A_316, %dma_wait3A_317] : memref<7x128x128xf32, #tpu.memory_space<vmem>> -> memref<1x128x128xf32, #tpu.memory_space<vmem>>
    %dma_wait3A_319 = tpu.memref_squeeze %dma_wait3A_318 : memref<1x128x128xf32, #tpu.memory_space<vmem>> -> memref<128x128xf32, #tpu.memory_space<vmem>>
    %dma_wait3A_320 = arith.constant 0 : i32
    %dma_wait3A_321 = tpu.memref_slice %arg5[%dma_wait3A_314, %dma_wait3A_320] : memref<50x128xi32, #tpu.memory_space<vmem>> -> memref<1x128xi32, #tpu.memory_space<vmem>>
    %dma_wait3A_322 = tpu.memref_squeeze %dma_wait3A_321 : memref<1x128xi32, #tpu.memory_space<vmem>> -> memref<128xi32, #tpu.memory_space<vmem>>
    %dma_wait3A_323 = arith.constant 0 : i32
    %dma_wait3A_324 = arith.constant 0 : i32
    %dma_wait3A_325 = tpu.memref_slice %arg3[%dma_wait3A_323, %dma_wait3A_324] : memref<100000x128xf32, #tpu.memory_space<hbm>> -> memref<100000x128xf32, #tpu.memory_space<hbm>>
    tpu.wait_indirect_dma semaphore(%arg7 : memref<!tpu.dma_semaphore, #tpu.memory_space<semaphore_mem>>) src(%dma_wait3A_325 : memref<100000x128xf32, #tpu.memory_space<hbm>>) dst(%dma_wait3A_319 : memref<128x128xf32, #tpu.memory_space<vmem>>)
    %dma_start3A_326 = arith.constant 0 : i32
    %dma_start3A_327 = arith.constant 49 : i32
    %dma_start3A_328 = arith.constant 0 : i32
    %dma_start3A_329 = arith.constant 0 : i32
    %dma_start3A_330 = tpu.memref_slice %arg6[%dma_start3A_326, %dma_start3A_328, %dma_start3A_329] : memref<7x128x128xf32, #tpu.memory_space<vmem>> -> memref<1x128x128xf32, #tpu.memory_space<vmem>>
    %dma_start3A_331 = tpu.memref_squeeze %dma_start3A_330 : memref<1x128x128xf32, #tpu.memory_space<vmem>> -> memref<128x128xf32, #tpu.memory_space<vmem>>
    %dma_start3A_332 = arith.constant 0 : i32
    %dma_start3A_333 = tpu.memref_slice %arg4[%dma_start3A_327, %mul3A_2, %dma_start3A_332] : memref<50x4096x128xf32, #tpu.memory_space<hbm>> -> memref<1x128x128xf32, #tpu.memory_space<hbm>>
    %dma_start3A_334 = tpu.memref_squeeze %dma_start3A_333 : memref<1x128x128xf32, #tpu.memory_space<hbm>> -> memref<128x128xf32, #tpu.memory_space<hbm>>
    %dma_start3A_335 = arith.constant 0 : i32
    %dma_start3A_336 = tpu.memref_slice %arg4[%dma_start3A_327, %mul3A_2, %dma_start3A_335] : memref<50x4096x128xf32, #tpu.memory_space<hbm>> -> memref<1x128x128xf32, #tpu.memory_space<hbm>>
    %dma_start3A_337 = tpu.memref_squeeze %dma_start3A_336 : memref<1x128x128xf32, #tpu.memory_space<hbm>> -> memref<128x128xf32, #tpu.memory_space<hbm>>
    %dma_start3A_338 = arith.constant 0 : i32
    %dma_start3A_339 = arith.constant 0 : i32
    %dma_start3A_340 = tpu.memref_slice %arg6[%dma_start3A_326, %dma_start3A_338, %dma_start3A_339] : memref<7x128x128xf32, #tpu.memory_space<vmem>> -> memref<1x128x128xf32, #tpu.memory_space<vmem>>
    %dma_start3A_341 = tpu.memref_squeeze %dma_start3A_340 : memref<1x128x128xf32, #tpu.memory_space<vmem>> -> memref<128x128xf32, #tpu.memory_space<vmem>>
    tpu.enqueue_dma source(%dma_start3A_341 : memref<128x128xf32, #tpu.memory_space<vmem>>) target(%dma_start3A_337 : memref<128x128xf32, #tpu.memory_space<hbm>>) target_semaphore(%arg14 : memref<!tpu.dma_semaphore, #tpu.memory_space<semaphore_mem>>)
    %dma_wait3A_342 = arith.constant 0 : i32
    %dma_wait3A_343 = arith.constant 0 : i32
    %dma_wait3A_344 = arith.constant 0 : i32
    %dma_wait3A_345 = arith.constant 0 : i32
    %dma_wait3A_346 = tpu.memref_slice %arg6[%dma_wait3A_342, %dma_wait3A_344, %dma_wait3A_345] : memref<7x128x128xf32, #tpu.memory_space<vmem>> -> memref<1x128x128xf32, #tpu.memory_space<vmem>>
    %dma_wait3A_347 = tpu.memref_squeeze %dma_wait3A_346 : memref<1x128x128xf32, #tpu.memory_space<vmem>> -> memref<128x128xf32, #tpu.memory_space<vmem>>
    %dma_wait3A_348 = arith.constant 0 : i32
    %dma_wait3A_349 = tpu.memref_slice %arg4[%dma_wait3A_343, %mul3A_2, %dma_wait3A_348] : memref<50x4096x128xf32, #tpu.memory_space<hbm>> -> memref<1x128x128xf32, #tpu.memory_space<hbm>>
    %dma_wait3A_350 = tpu.memref_squeeze %dma_wait3A_349 : memref<1x128x128xf32, #tpu.memory_space<hbm>> -> memref<128x128xf32, #tpu.memory_space<hbm>>
    %dma_wait3A_351 = arith.constant 0 : i32
    %dma_wait3A_352 = tpu.memref_slice %arg4[%dma_wait3A_343, %mul3A_2, %dma_wait3A_351] : memref<50x4096x128xf32, #tpu.memory_space<hbm>> -> memref<1x128x128xf32, #tpu.memory_space<hbm>>
    %dma_wait3A_353 = tpu.memref_squeeze %dma_wait3A_352 : memref<1x128x128xf32, #tpu.memory_space<hbm>> -> memref<128x128xf32, #tpu.memory_space<hbm>>
    %dma_wait3A_354 = arith.constant 0 : i32
    %dma_wait3A_355 = arith.constant 0 : i32
    %dma_wait3A_356 = tpu.memref_slice %arg6[%dma_wait3A_342, %dma_wait3A_354, %dma_wait3A_355] : memref<7x128x128xf32, #tpu.memory_space<vmem>> -> memref<1x128x128xf32, #tpu.memory_space<vmem>>
    %dma_wait3A_357 = tpu.memref_squeeze %dma_wait3A_356 : memref<1x128x128xf32, #tpu.memory_space<vmem>> -> memref<128x128xf32, #tpu.memory_space<vmem>>
    tpu.wait_dma2 semaphore(%arg14 : memref<!tpu.dma_semaphore, #tpu.memory_space<semaphore_mem>>) src(%dma_wait3A_357 : memref<128x128xf32, #tpu.memory_space<vmem>>) dst(%dma_wait3A_353 : memref<128x128xf32, #tpu.memory_space<hbm>>)
    %dma_wait3A_358 = arith.constant 1 : i32
    %dma_wait3A_359 = arith.constant 0 : i32
    %dma_wait3A_360 = arith.constant 0 : i32
    %dma_wait3A_361 = arith.constant 0 : i32
    %dma_wait3A_362 = tpu.memref_slice %arg6[%dma_wait3A_358, %dma_wait3A_360, %dma_wait3A_361] : memref<7x128x128xf32, #tpu.memory_space<vmem>> -> memref<1x128x128xf32, #tpu.memory_space<vmem>>
    %dma_wait3A_363 = tpu.memref_squeeze %dma_wait3A_362 : memref<1x128x128xf32, #tpu.memory_space<vmem>> -> memref<128x128xf32, #tpu.memory_space<vmem>>
    %dma_wait3A_364 = arith.constant 0 : i32
    %dma_wait3A_365 = tpu.memref_slice %arg4[%dma_wait3A_359, %mul3A_2, %dma_wait3A_364] : memref<50x4096x128xf32, #tpu.memory_space<hbm>> -> memref<1x128x128xf32, #tpu.memory_space<hbm>>
    %dma_wait3A_366 = tpu.memref_squeeze %dma_wait3A_365 : memref<1x128x128xf32, #tpu.memory_space<hbm>> -> memref<128x128xf32, #tpu.memory_space<hbm>>
    %dma_wait3A_367 = arith.constant 0 : i32
    %dma_wait3A_368 = tpu.memref_slice %arg4[%dma_wait3A_359, %mul3A_2, %dma_wait3A_367] : memref<50x4096x128xf32, #tpu.memory_space<hbm>> -> memref<1x128x128xf32, #tpu.memory_space<hbm>>
    %dma_wait3A_369 = tpu.memref_squeeze %dma_wait3A_368 : memref<1x128x128xf32, #tpu.memory_space<hbm>> -> memref<128x128xf32, #tpu.memory_space<hbm>>
    %dma_wait3A_370 = arith.constant 0 : i32
    %dma_wait3A_371 = arith.constant 0 : i32
    %dma_wait3A_372 = tpu.memref_slice %arg6[%dma_wait3A_358, %dma_wait3A_370, %dma_wait3A_371] : memref<7x128x128xf32, #tpu.memory_space<vmem>> -> memref<1x128x128xf32, #tpu.memory_space<vmem>>
    %dma_wait3A_373 = tpu.memref_squeeze %dma_wait3A_372 : memref<1x128x128xf32, #tpu.memory_space<vmem>> -> memref<128x128xf32, #tpu.memory_space<vmem>>
    tpu.wait_dma2 semaphore(%arg15 : memref<!tpu.dma_semaphore, #tpu.memory_space<semaphore_mem>>) src(%dma_wait3A_373 : memref<128x128xf32, #tpu.memory_space<vmem>>) dst(%dma_wait3A_369 : memref<128x128xf32, #tpu.memory_space<hbm>>)
    %dma_wait3A_374 = arith.constant 2 : i32
    %dma_wait3A_375 = arith.constant 0 : i32
    %dma_wait3A_376 = arith.constant 0 : i32
    %dma_wait3A_377 = arith.constant 0 : i32
    %dma_wait3A_378 = tpu.memref_slice %arg6[%dma_wait3A_374, %dma_wait3A_376, %dma_wait3A_377] : memref<7x128x128xf32, #tpu.memory_space<vmem>> -> memref<1x128x128xf32, #tpu.memory_space<vmem>>
    %dma_wait3A_379 = tpu.memref_squeeze %dma_wait3A_378 : memref<1x128x128xf32, #tpu.memory_space<vmem>> -> memref<128x128xf32, #tpu.memory_space<vmem>>
    %dma_wait3A_380 = arith.constant 0 : i32
    %dma_wait3A_381 = tpu.memref_slice %arg4[%dma_wait3A_375, %mul3A_2, %dma_wait3A_380] : memref<50x4096x128xf32, #tpu.memory_space<hbm>> -> memref<1x128x128xf32, #tpu.memory_space<hbm>>
    %dma_wait3A_382 = tpu.memref_squeeze %dma_wait3A_381 : memref<1x128x128xf32, #tpu.memory_space<hbm>> -> memref<128x128xf32, #tpu.memory_space<hbm>>
    %dma_wait3A_383 = arith.constant 0 : i32
    %dma_wait3A_384 = tpu.memref_slice %arg4[%dma_wait3A_375, %mul3A_2, %dma_wait3A_383] : memref<50x4096x128xf32, #tpu.memory_space<hbm>> -> memref<1x128x128xf32, #tpu.memory_space<hbm>>
    %dma_wait3A_385 = tpu.memref_squeeze %dma_wait3A_384 : memref<1x128x128xf32, #tpu.memory_space<hbm>> -> memref<128x128xf32, #tpu.memory_space<hbm>>
    %dma_wait3A_386 = arith.constant 0 : i32
    %dma_wait3A_387 = arith.constant 0 : i32
    %dma_wait3A_388 = tpu.memref_slice %arg6[%dma_wait3A_374, %dma_wait3A_386, %dma_wait3A_387] : memref<7x128x128xf32, #tpu.memory_space<vmem>> -> memref<1x128x128xf32, #tpu.memory_space<vmem>>
    %dma_wait3A_389 = tpu.memref_squeeze %dma_wait3A_388 : memref<1x128x128xf32, #tpu.memory_space<vmem>> -> memref<128x128xf32, #tpu.memory_space<vmem>>
    tpu.wait_dma2 semaphore(%arg16 : memref<!tpu.dma_semaphore, #tpu.memory_space<semaphore_mem>>) src(%dma_wait3A_389 : memref<128x128xf32, #tpu.memory_space<vmem>>) dst(%dma_wait3A_385 : memref<128x128xf32, #tpu.memory_space<hbm>>)
    %dma_wait3A_390 = arith.constant 3 : i32
    %dma_wait3A_391 = arith.constant 0 : i32
    %dma_wait3A_392 = arith.constant 0 : i32
    %dma_wait3A_393 = arith.constant 0 : i32
    %dma_wait3A_394 = tpu.memref_slice %arg6[%dma_wait3A_390, %dma_wait3A_392, %dma_wait3A_393] : memref<7x128x128xf32, #tpu.memory_space<vmem>> -> memref<1x128x128xf32, #tpu.memory_space<vmem>>
    %dma_wait3A_395 = tpu.memref_squeeze %dma_wait3A_394 : memref<1x128x128xf32, #tpu.memory_space<vmem>> -> memref<128x128xf32, #tpu.memory_space<vmem>>
    %dma_wait3A_396 = arith.constant 0 : i32
    %dma_wait3A_397 = tpu.memref_slice %arg4[%dma_wait3A_391, %mul3A_2, %dma_wait3A_396] : memref<50x4096x128xf32, #tpu.memory_space<hbm>> -> memref<1x128x128xf32, #tpu.memory_space<hbm>>
    %dma_wait3A_398 = tpu.memref_squeeze %dma_wait3A_397 : memref<1x128x128xf32, #tpu.memory_space<hbm>> -> memref<128x128xf32, #tpu.memory_space<hbm>>
    %dma_wait3A_399 = arith.constant 0 : i32
    %dma_wait3A_400 = tpu.memref_slice %arg4[%dma_wait3A_391, %mul3A_2, %dma_wait3A_399] : memref<50x4096x128xf32, #tpu.memory_space<hbm>> -> memref<1x128x128xf32, #tpu.memory_space<hbm>>
    %dma_wait3A_401 = tpu.memref_squeeze %dma_wait3A_400 : memref<1x128x128xf32, #tpu.memory_space<hbm>> -> memref<128x128xf32, #tpu.memory_space<hbm>>
    %dma_wait3A_402 = arith.constant 0 : i32
    %dma_wait3A_403 = arith.constant 0 : i32
    %dma_wait3A_404 = tpu.memref_slice %arg6[%dma_wait3A_390, %dma_wait3A_402, %dma_wait3A_403] : memref<7x128x128xf32, #tpu.memory_space<vmem>> -> memref<1x128x128xf32, #tpu.memory_space<vmem>>
    %dma_wait3A_405 = tpu.memref_squeeze %dma_wait3A_404 : memref<1x128x128xf32, #tpu.memory_space<vmem>> -> memref<128x128xf32, #tpu.memory_space<vmem>>
    tpu.wait_dma2 semaphore(%arg17 : memref<!tpu.dma_semaphore, #tpu.memory_space<semaphore_mem>>) src(%dma_wait3A_405 : memref<128x128xf32, #tpu.memory_space<vmem>>) dst(%dma_wait3A_401 : memref<128x128xf32, #tpu.memory_space<hbm>>)
    %dma_wait3A_406 = arith.constant 4 : i32
    %dma_wait3A_407 = arith.constant 0 : i32
    %dma_wait3A_408 = arith.constant 0 : i32
    %dma_wait3A_409 = arith.constant 0 : i32
    %dma_wait3A_410 = tpu.memref_slice %arg6[%dma_wait3A_406, %dma_wait3A_408, %dma_wait3A_409] : memref<7x128x128xf32, #tpu.memory_space<vmem>> -> memref<1x128x128xf32, #tpu.memory_space<vmem>>
    %dma_wait3A_411 = tpu.memref_squeeze %dma_wait3A_410 : memref<1x128x128xf32, #tpu.memory_space<vmem>> -> memref<128x128xf32, #tpu.memory_space<vmem>>
    %dma_wait3A_412 = arith.constant 0 : i32
    %dma_wait3A_413 = tpu.memref_slice %arg4[%dma_wait3A_407, %mul3A_2, %dma_wait3A_412] : memref<50x4096x128xf32, #tpu.memory_space<hbm>> -> memref<1x128x128xf32, #tpu.memory_space<hbm>>
    %dma_wait3A_414 = tpu.memref_squeeze %dma_wait3A_413 : memref<1x128x128xf32, #tpu.memory_space<hbm>> -> memref<128x128xf32, #tpu.memory_space<hbm>>
    %dma_wait3A_415 = arith.constant 0 : i32
    %dma_wait3A_416 = tpu.memref_slice %arg4[%dma_wait3A_407, %mul3A_2, %dma_wait3A_415] : memref<50x4096x128xf32, #tpu.memory_space<hbm>> -> memref<1x128x128xf32, #tpu.memory_space<hbm>>
    %dma_wait3A_417 = tpu.memref_squeeze %dma_wait3A_416 : memref<1x128x128xf32, #tpu.memory_space<hbm>> -> memref<128x128xf32, #tpu.memory_space<hbm>>
    %dma_wait3A_418 = arith.constant 0 : i32
    %dma_wait3A_419 = arith.constant 0 : i32
    %dma_wait3A_420 = tpu.memref_slice %arg6[%dma_wait3A_406, %dma_wait3A_418, %dma_wait3A_419] : memref<7x128x128xf32, #tpu.memory_space<vmem>> -> memref<1x128x128xf32, #tpu.memory_space<vmem>>
    %dma_wait3A_421 = tpu.memref_squeeze %dma_wait3A_420 : memref<1x128x128xf32, #tpu.memory_space<vmem>> -> memref<128x128xf32, #tpu.memory_space<vmem>>
    tpu.wait_dma2 semaphore(%arg18 : memref<!tpu.dma_semaphore, #tpu.memory_space<semaphore_mem>>) src(%dma_wait3A_421 : memref<128x128xf32, #tpu.memory_space<vmem>>) dst(%dma_wait3A_417 : memref<128x128xf32, #tpu.memory_space<hbm>>)
    %dma_wait3A_422 = arith.constant 5 : i32
    %dma_wait3A_423 = arith.constant 0 : i32
    %dma_wait3A_424 = arith.constant 0 : i32
    %dma_wait3A_425 = arith.constant 0 : i32
    %dma_wait3A_426 = tpu.memref_slice %arg6[%dma_wait3A_422, %dma_wait3A_424, %dma_wait3A_425] : memref<7x128x128xf32, #tpu.memory_space<vmem>> -> memref<1x128x128xf32, #tpu.memory_space<vmem>>
    %dma_wait3A_427 = tpu.memref_squeeze %dma_wait3A_426 : memref<1x128x128xf32, #tpu.memory_space<vmem>> -> memref<128x128xf32, #tpu.memory_space<vmem>>
    %dma_wait3A_428 = arith.constant 0 : i32
    %dma_wait3A_429 = tpu.memref_slice %arg4[%dma_wait3A_423, %mul3A_2, %dma_wait3A_428] : memref<50x4096x128xf32, #tpu.memory_space<hbm>> -> memref<1x128x128xf32, #tpu.memory_space<hbm>>
    %dma_wait3A_430 = tpu.memref_squeeze %dma_wait3A_429 : memref<1x128x128xf32, #tpu.memory_space<hbm>> -> memref<128x128xf32, #tpu.memory_space<hbm>>
    %dma_wait3A_431 = arith.constant 0 : i32
    %dma_wait3A_432 = tpu.memref_slice %arg4[%dma_wait3A_423, %mul3A_2, %dma_wait3A_431] : memref<50x4096x128xf32, #tpu.memory_space<hbm>> -> memref<1x128x128xf32, #tpu.memory_space<hbm>>
    %dma_wait3A_433 = tpu.memref_squeeze %dma_wait3A_432 : memref<1x128x128xf32, #tpu.memory_space<hbm>> -> memref<128x128xf32, #tpu.memory_space<hbm>>
    %dma_wait3A_434 = arith.constant 0 : i32
    %dma_wait3A_435 = arith.constant 0 : i32
    %dma_wait3A_436 = tpu.memref_slice %arg6[%dma_wait3A_422, %dma_wait3A_434, %dma_wait3A_435] : memref<7x128x128xf32, #tpu.memory_space<vmem>> -> memref<1x128x128xf32, #tpu.memory_space<vmem>>
    %dma_wait3A_437 = tpu.memref_squeeze %dma_wait3A_436 : memref<1x128x128xf32, #tpu.memory_space<vmem>> -> memref<128x128xf32, #tpu.memory_space<vmem>>
    tpu.wait_dma2 semaphore(%arg19 : memref<!tpu.dma_semaphore, #tpu.memory_space<semaphore_mem>>) src(%dma_wait3A_437 : memref<128x128xf32, #tpu.memory_space<vmem>>) dst(%dma_wait3A_433 : memref<128x128xf32, #tpu.memory_space<hbm>>)
    %dma_wait3A_438 = arith.constant 6 : i32
    %dma_wait3A_439 = arith.constant 0 : i32
    %dma_wait3A_440 = arith.constant 0 : i32
    %dma_wait3A_441 = arith.constant 0 : i32
    %dma_wait3A_442 = tpu.memref_slice %arg6[%dma_wait3A_438, %dma_wait3A_440, %dma_wait3A_441] : memref<7x128x128xf32, #tpu.memory_space<vmem>> -> memref<1x128x128xf32, #tpu.memory_space<vmem>>
    %dma_wait3A_443 = tpu.memref_squeeze %dma_wait3A_442 : memref<1x128x128xf32, #tpu.memory_space<vmem>> -> memref<128x128xf32, #tpu.memory_space<vmem>>
    %dma_wait3A_444 = arith.constant 0 : i32
    %dma_wait3A_445 = tpu.memref_slice %arg4[%dma_wait3A_439, %mul3A_2, %dma_wait3A_444] : memref<50x4096x128xf32, #tpu.memory_space<hbm>> -> memref<1x128x128xf32, #tpu.memory_space<hbm>>
    %dma_wait3A_446 = tpu.memref_squeeze %dma_wait3A_445 : memref<1x128x128xf32, #tpu.memory_space<hbm>> -> memref<128x128xf32, #tpu.memory_space<hbm>>
    %dma_wait3A_447 = arith.constant 0 : i32
    %dma_wait3A_448 = tpu.memref_slice %arg4[%dma_wait3A_439, %mul3A_2, %dma_wait3A_447] : memref<50x4096x128xf32, #tpu.memory_space<hbm>> -> memref<1x128x128xf32, #tpu.memory_space<hbm>>
    %dma_wait3A_449 = tpu.memref_squeeze %dma_wait3A_448 : memref<1x128x128xf32, #tpu.memory_space<hbm>> -> memref<128x128xf32, #tpu.memory_space<hbm>>
    %dma_wait3A_450 = arith.constant 0 : i32
    %dma_wait3A_451 = arith.constant 0 : i32
    %dma_wait3A_452 = tpu.memref_slice %arg6[%dma_wait3A_438, %dma_wait3A_450, %dma_wait3A_451] : memref<7x128x128xf32, #tpu.memory_space<vmem>> -> memref<1x128x128xf32, #tpu.memory_space<vmem>>
    %dma_wait3A_453 = tpu.memref_squeeze %dma_wait3A_452 : memref<1x128x128xf32, #tpu.memory_space<vmem>> -> memref<128x128xf32, #tpu.memory_space<vmem>>
    tpu.wait_dma2 semaphore(%arg20 : memref<!tpu.dma_semaphore, #tpu.memory_space<semaphore_mem>>) src(%dma_wait3A_453 : memref<128x128xf32, #tpu.memory_space<vmem>>) dst(%dma_wait3A_449 : memref<128x128xf32, #tpu.memory_space<hbm>>)
    return
  }
}

</mosaic_0001>

<sc_bundles>
// kernel: kernel.3.cloned.1.call-start
scs
__scs_entry_jumppad:
0x0: {  	(pc) =	sbr.rel $0x88, $3  }
0x1: {  	(tag) =	ssettag $0x0;
	lr =	simm.s32 $0x1  }
0x2: {  	[smem:$0x3F9F] =	sst lr;
	_ =	strace $0xD0000000  }
0x3: {  	_ = 	snop  }
0x4: {  	_ = 	snop  }
0x5: {  	_ = 	snop  }
0x6: {  	_ = 	snop  }
0x7: {  	_ = 	snop  }
__scs_overlays_trampoline_lowered:
0x8: {  	[smem:$0x3FAE] =	sst s0  }
0x9: {  	[smem:$0x3FAF] =	sst s1  }
0xa: {  	[smem:$0x3FB0] =	sst s2  }
0xb: {  	[smem:$0x3FB1] =	sst s3  }
0xc: {  	[smem:$0x3FB2] =	sst s4  }
0xd: {  	[smem:$0x3FB3] =	sst s5  }
0xe: {  	[smem:$0x3FB4] =	sst s6  }
0xf: {  	[smem:$0x3FB5] =	sst s7  }
0x10: {  	[smem:$0x3FB6] =	sst s8  }
0x11: {  	[smem:$0x3FB7] =	sst s9;
	s0 =	simm.s32 @!p0 $0x0  }
0x12: {  	s1 =	sld [smem:$0x3F9D];
	s0 =	simm.s32 @p0 $0x1  }
0x13: {  	[smem:$0x3FB8] =	sst s0;
	s0 =	simm.s32 @!p1 $0x0  }
0x14: {  	s2 =	sld [smem:$0x3F9C];
	s0 =	simm.s32 @p1 $0x1  }
0x15: {  	[smem:$0x3FB9] =	sst s0;
	s0 =	simm.s32 @!p2 $0x0  }
0x16: {  	s3 =	sld [smem:$0x3FDB];
	s0 =	simm.s32 @p2 $0x1  }
0x17: {  	s4 =	simm.s32 $0x1BF5;
	[smem:$0x3FBB] =	sst s0  }
0x18: {  	s0 =	sld [smem:$0x3F9E];
	_ =	swait.ge [sflag:s4], $0x0  }
0x19: {  	s7 =	sld [smem:$0x3F9F]  }
0x1a: {  	s8 =	sadd.s32 $0xFFFFE003, lr  }
0x1b: {  	s9 =	sadd.s32 $0xFFFFFEF7, lr;
	s5 =	simm.s32 $0xFFFFFFFF;
	p2 =	slt.u32 s8, $0xFFFFF086  }
0x1c: {  	p1 =	slt.u32 s9, $0xF7A;
	s5 =	simm.s32 @!p2 $0x0  }
0x1d: {  	s5 =	simm.s32 @p1 $0x1;
	p0 =	seq.s32 s7, s2  }
0x1e: {  	s7 =	smul.u32 @!p0 $0xF7A, s2;
	p2 =	seq.s32 @!p0 s5, $0x0  }
0x1f: {  	s9 =	smul.u32 $0xF7A, s1;
	s8 =	simm.s32 @!p0 $0x1BF5;
	p2 =	por !p2, p0  }
0x20: {  	[sflag:s8] =	ssyncset.s32 @!p0 $0xFFFFF086;
	s6 =	sadd.s32 @!p0 s3, s7;
	s7 =	simm.s32 @!p0 $0x108  }
0x21: {  	s3 =	sadd.s32 s3, s9;
	s6 =	sadd.s32 @!p0 $0x88, s6;
	s7 =	simm.s32 @p2 $0x1082  }
0x22: {  	[simem:s7], [sflag:s8] =	dma.local @!p0 [hbm:s6], $0xF7A  }
0x23: {  	s9 =	sor.u32 $0xD0000000, s2;
	s6 =	simm.s32 $0x108;
	_ =	swait.ge @!p0 [sflag:s8], $0x0  }
0x24: {  	s3 =	sadd.s32 $0x88, s3;
	s6 =	simm.s32 @!p1 $0x1082;
	[sflag:s4] =	ssyncset.s32 $0xFFFFF086  }
0x25: {  	[simem:s6], [sflag:s4] =	dma.local [hbm:s3], $0xF7A  }
0x26: {  	[smem:$0x3F9F] =	sst s1;
	(tag) =	ssettag s2;
	_ =	strace s9  }
0x27: {  	s1 =	sld [smem:$0x3FAF]  }
0x28: {  	s2 =	sld [smem:$0x3FB0]  }
0x29: {  	s4 =	sld [smem:$0x3FB2]  }
0x2a: {  	p0 =	seq.s32 s5, $0x0;
	s5 =	sld [smem:$0x3FB3]  }
0x2b: {  	s6 =	sld [smem:$0x3FB4]  }
0x2c: {  	s7 =	sld [smem:$0x3FB5]  }
0x2d: {  	s3 =	simm.s32 $0x108;
	s8 =	sld [smem:$0x3FB6]  }
0x2e: {  	s3 =	simm.s32 @!p0 $0x1082;
	s9 =	sld [smem:$0x3FB7]  }
0x2f: {  	lr =	sadd.s32 s0, s3;
	s0 =	sld [smem:$0x3FAE]  }
0x30: {  	s3 =	sld [smem:$0x3FB1]  }
0x31: {  	[smem:$0x3FBA] =	sst s10  }
0x32: {  	s10 =	sld [smem:$0x3FB8];
	_ =	sdelay $0x3  }
0x33: {  	p0 =	seq.s32 s10, $0x1;
	s10 =	sld [smem:$0x3FBA];
	_ =	sdelay $0x3  }
0x34: {  	[smem:$0x3FBA] =	sst s10  }
0x35: {  	s10 =	sld [smem:$0x3FB9];
	_ =	sdelay $0x3  }
0x36: {  	p1 =	seq.s32 s10, $0x1;
	s10 =	sld [smem:$0x3FBA];
	_ =	sdelay $0x3  }
0x37: {  	[smem:$0x3FBA] =	sst s10  }
0x38: {  	s10 =	sld [smem:$0x3FBB]  }
0x39: {  	_ = 	snop;
	(pc) =	sbr.ind lr, $3  }
0x3a: {  	_ = 	snop  }
0x3b: {  	_ = 	snop  }
0x3c: {  	p2 =	seq.s32 s10, $0x1;
	s10 =	sld [smem:$0x3FBA]  }
0x3d: {  	_ =	shalt  }
0x3e: {  	_ =	shalt  }
0x3f: {  	_ =	shalt  }
0x40: {  	_ =	shalt  }
0x41: {  	_ =	shalt  }
0x42: {  	_ =	shalt  }
0x43: {  	_ =	shalt  }
0x44: {  	_ =	shalt  }
0x45: {  	_ =	shalt  }
0x46: {  	_ =	shalt  }
0x47: {  	_ =	shalt  }
0x48: {  	_ =	shalt  }
0x49: {  	_ =	shalt  }
0x4a: {  	_ =	shalt  }
0x4b: {  	_ =	shalt  }
0x4c: {  	_ =	shalt  }
0x4d: {  	_ =	shalt  }
0x4e: {  	_ =	shalt  }
0x4f: {  	_ =	shalt  }
0x50: {  	_ =	shalt  }
0x51: {  	_ =	shalt  }
0x52: {  	_ =	shalt  }
0x53: {  	_ =	shalt  }
0x54: {  	_ =	shalt  }
0x55: {  	_ =	shalt  }
0x56: {  	_ =	shalt  }
0x57: {  	_ =	shalt  }
0x58: {  	_ =	shalt  }
0x59: {  	_ =	shalt  }
0x5a: {  	_ =	shalt  }
0x5b: {  	_ =	shalt  }
0x5c: {  	_ =	shalt  }
0x5d: {  	_ =	shalt  }
0x5e: {  	_ =	shalt  }
0x5f: {  	_ =	shalt  }
0x60: {  	_ =	shalt  }
0x61: {  	_ =	shalt  }
0x62: {  	_ =	shalt  }
0x63: {  	_ =	shalt  }
0x64: {  	_ =	shalt  }
0x65: {  	_ =	shalt  }
0x66: {  	_ =	shalt  }
0x67: {  	_ =	shalt  }
0x68: {  	_ =	shalt  }
0x69: {  	_ =	shalt  }
0x6a: {  	_ =	shalt  }
0x6b: {  	_ =	shalt  }
0x6c: {  	_ =	shalt  }
0x6d: {  	_ =	shalt  }
0x6e: {  	_ =	shalt  }
0x6f: {  	_ =	shalt  }
0x70: {  	_ =	shalt  }
0x71: {  	_ =	shalt  }
0x72: {  	_ =	shalt  }
0x73: {  	_ =	shalt  }
0x74: {  	_ =	shalt  }
0x75: {  	_ =	shalt  }
0x76: {  	_ =	shalt  }
0x77: {  	_ =	shalt  }
0x78: {  	_ =	shalt  }
0x79: {  	_ =	shalt  }
0x7a: {  	_ =	shalt  }
0x7b: {  	_ =	shalt  }
0x7c: {  	_ =	shalt  }
0x7d: {  	_ =	shalt  }
0x7e: {  	_ =	shalt  }
0x7f: {  	_ =	shalt  }
0x80: {  	_ =	shalt  }
0x81: {  	_ =	shalt  }
0x82: {  	_ =	shalt  }
0x83: {  	_ =	shalt  }
0x84: {  	_ =	shalt  }
0x85: {  	_ =	shalt  }
0x86: {  	_ =	shalt  }
0x87: {  	_ =	shalt  }
.Lfunc_end0:
.L_simem_size_0:
called_computation_lowered:
.L_overlay_start_0:
0x88: {  	s2 =	sld [smem:$0x3FD9]  }
0x89: {  	s3 =	sld [smem:$0x3FFE];
	_ =	sdelay $0x1  }
0x8a: {  	s1 =	srdreg.scid  }
0x8b: {  	s0 =	sand.u32 $0x1, s1  }
0x8c: {  	s18 =	sshll.u32 s0, $0xA;
	s2 =	sadd.s32 s3, s2  }
0x8d: {  	s2 =	sadd.s32 s2, s18  }
0x8e: {  	[smem:$0x3FC6] =	sst s2  }
0x8f: {  	_ = 	snop  }
0x90: {  	s2 =	sld [smem:$0x3FC9]  }
0x91: {  	s19 =	sld [smem:$0x3FC8]  }
0x92: {  	s4 =	sld [smem:$0x3FD0];
	(tm) =	ssettm $0x1  }
0x93: {  	s5 =	sld [smem:$0x3FFB];
	_ =	sdelay $0x3  }
0x94: {  	_ =	strace s5  }
0x95: {  	s5 =	sld [smem:$0x3FFC];
	_ =	sdelay $0x3  }
0x96: {  	_ =	strace s5  }
0x97: {  	s5 =	sld [smem:$0x3FFD];
	_ =	sdelay $0x3  }
0x98: {  	_ =	strace s5  }
0x99: {  	_ =	strace $0x8FFFFFFF  }
0x9a: {  	s20 =	sld [smem:$0x3FDB];
	_ =	sdelay $0x1  }
0x9b: {  	s6 =	simm.s32 $_scs_section_size  }
0x9c: {  	s7 =	simm.s32 $_size__tile_overlayer_lowered;
	s8 =	simm.s32 $_tile_overlayer_lowered  }
0x9d: {  	s23 =	simm.s32 $0x1BFF;
	s22 =	sshll.u32 s8, $0x1;
	s5 =	sadd.s32 s6, s20  }
0x9e: {  	s9 =	simm.s32 $0x0;
	s21 =	sshll.u32 s7, $0x1;
	s7 =	sadd.s32 s22, s5  }
0x9f: {  	[timem:s9], [sflag:s23] =	dma.local [hbm:s7], s21  }
0xa0: {  	_ =	swait.ge [sflag:s23], s21  }
0xa1: {  	s6 =	ssub.s32 $0x0, s21;
	[sflag:s23] =	ssyncset.done $0x0  }
0xa2: {  	[sflag:s23] =	ssyncadd.s32 s6;
	_ =	sdelay $0x1  }
0xa3: {  	s24 =	simm.s32 $0x1B8B  }
0xa4: {  	_ =	swait.ge [sflag:s24], $0x1  }
0xa5: {  	[sflag:s24] =	ssyncset.done $0x0  }
0xa6: {  	s25 =	simm.s32 $0x1B8E;
	[sflag:s24] =	ssyncadd.s32 $0xFFFFFFFF  }
0xa7: {  	s26 =	simm.s32 $execute0_lowered;
	[smem:$0x3FD2] =	sst s25  }
0xa8: {  	s6 =	sshll.u32 s26, $0x1;
	_ =	strace $0x80000046;
	[dreg:$0x1] =	wrdreg $0xFFFFFFFF  }
0xa9: {  	s28 =	simm.s32 $_size_execute0_lowered;
	s5 =	sadd.s32 s5, s6;
	[dreg:$0x0] =	wrdreg $0x0  }
0xaa: {  	s6 =	sshll.u32 s28, $0x1;
	[dreg:$0x2] =	wrdreg s5  }
0xab: {  	[dreg:$0x3] =	wrdreg s6  }
0xac: {  	[dreg:$0x4] =	wrdreg $0xC0  }
0xad: {  	_ =	task [dreg:s9], $0x5FFFF  }
0xae: {  	[dreg:$0x1] =	wrdreg $0xFFFFFFFF  }
0xaf: {  	[dreg:$0x0] =	wrdreg $0x60  }
0xb0: {  	[dreg:$0x2] =	wrdreg s2  }
0xb1: {  	[dreg:$0x3] =	wrdreg s19  }
0xb2: {  	[dreg:$0x4] =	wrdreg s4  }
0xb3: {  	[dreg:$0x5] =	wrdreg $0x9  }
0xb4: {  	_ =	task.clear_ibuf [dreg:s9], $0x6FFFF;
	_ =	strace $0x90000046  }
0xb5: {  	s29 =	simm.s32 $0x9;
	_ =	strace $0x80000048  }
0xb6: {  	_ =	swait.ge [sflag:s29], $0x1  }
0xb7: {  	[sflag:s29] =	ssyncadd.s32 $0xFFFFFFFF  }
0xb8: {  	_ =	strace $0x90000048  }
0xb9: {  	_ =	sfence  }
0xba: {  	s30 =	sld [smem:$0x0];
	_ =	sdelay $0x2  }
0xbb: {  	s31 =	sshll.u32 s1, $0xD;
	s1 =	sshrl.u32 s1, $0x2  }
0xbc: {  	s3 =	sand.u32 $0x4000, s31;
	s1 =	sadd.s32 s1, s30  }
0xbd: {  	s0 =	sor.u32 s3, s0;
	s1 =	sshll.u32 s1, $0x11  }
0xbe: {  	s0 =	sor.u32 s1, s0  }
0xbf: {  	s0 =	sadd.s32 $0x8F2B, s0  }
0xc0: {  	[sflag:s0] =	ssyncadd.remote.s32 $0x1  }
0xc1: {  	_ =	sfence.sel $0xFFFF  }
0xc2: {  	[dreg:$0x0] =	wrdreg $0xFFFFFFFF;
	(pc) =	sbr.abs _section_cstart, $3  }
0xc3: {  	[dreg:$0x1] =	wrdreg $0xFFFFFFFF  }
0xc4: {  	_ =	task.clear_ibuf [dreg:s9], $0x2FFFF;
	_ =	strace $0x9FFFFFFF  }
0xc5: {  	(tm) =	ssettm $0x7FFFFFFF  }
tec
execute0_lowered:
.L_overlay_start_1:
0x0: {  	(tag) =	ssettag $0x1  }
0x1: {  	s0 =	rddreg [dreg:$0x0]  }
0x2: {  	s2 =	rddreg [dreg:$0x1]  }
0x3: {  	s3 =	rddreg [dreg:$0x2]  }
0x4: {  	s1 =	srdreg.scid;
	s8 =	stileid.u32  }
0x5: {  	s4 =	simm.s32 $0x0;
	s29 =	simm.s32 $0x11C00;
	s31 =	simm.s32 $0x15C00  }
0x6: {  	s28 =	simm.s32 $0x6;
	s1 =	sand.u32 $0x1, s1;
	s5 =	sshll.u32 s8, $0x8  }
0x7: {  	[smem:$0x7FF] =	sst s4;
	s8 =	sshll.u32 s8, $0xF;
	s6 =	sshll.u32 s1, $0x7  }
0x8: {  	s7 =	ssub.s32 $0x2, s1;
	_ =	strace $0x80000047;
	s1 =	sshll.u32 s1, $0xE  }
0x9: {  	s5 =	sor.u32 s6, s5;
	s26 =	sshrl.u32 s7, $0x1;
	s1 =	sor.u32 s1, s8  }
0xa: {  	s9 =	sadd.s32 s0, s5;
	s13 =	sor.u32 $0x300000, s1;
	s15 =	sor.u32 $0x280000, s1  }
0xb: {  	s17 =	sor.u32 $0x200000, s1;
	s19 =	sor.u32 $0x180000, s1;
	s21 =	sor.u32 $0x100000, s1  }
0xc: {  	s23 =	sor.u32 $0x80000, s1;
	s1 =	sshrl.u32 s1, $0x3;
	[dreg:$0xb] =	wrdreg s9  }
0xd: {  	s0 =	ssub.s32 s7, s26;
	s7 =	sadd.s32 $0x6000, s9;
	[dreg:$0xa] =	wrdreg s1  }
0xe: {  	s30 =	simm.s32 $0x7;
	s6 =	sshrl.u32 s13, $0x3;
	[dreg:$0xc] =	wrdreg s7  }
0xf: {  	s8 =	simm.s32 $0xB;
	s16 =	sshrl.u32 s15, $0x3;
	[dreg:$0x4] =	wrdreg s6  }
0x10: {  	s5 =	sshll.u32 s5, $0x4;
	s18 =	sshrl.u32 s17, $0x3;
	[dreg:$0x5] =	wrdreg s16  }
0x11: {  	s5 =	sadd.s32 s5, s3;
	s20 =	sshrl.u32 s19, $0x3;
	[dreg:$0x6] =	wrdreg s18  }
0x12: {  	s22 =	sshrl.u32 s21, $0x3;
	s25 =	sshrl.u32 s23, $0x3;
	[dreg:$0x7] =	wrdreg s20  }
0x13: {  	s0 =	smax.u32 s0, $0x1;
	s19 =	simm.s32 $0xF;
	[dreg:$0x8] =	wrdreg s22  }
0x14: {  	s21 =	simm.s32 $0x1C00;
	s1 =	simm.s32 $0x19C00;
	[dreg:$0x9] =	wrdreg s25  }
0x15: {  	s17 =	simm.s32 $0x2;
	s9 =	sadd.s32 $0x2A0000, s5;
	[dreg:$0x15] =	wrdreg s0  }
0x16: {  	s23 =	simm.s32 $0x4;
	s10 =	sadd.s32 $0x2B0000, s5;
	[dreg:$0xd] =	wrdreg s9  }
0x17: {  	s11 =	sadd.s32 $0x2C0000, s5;
	s12 =	sadd.s32 $0x2D0000, s5;
	[dreg:$0xe] =	wrdreg s10  }
0x18: {  	s14 =	sadd.s32 $0x2E0000, s5;
	s24 =	sadd.s32 $0x2F0000, s5;
	[dreg:$0xf] =	wrdreg s11  }
0x19: {  	s26 =	sadd.s32 $0x300000, s5;
	s5 =	sadd.s32 $0x310000, s5;
	[dreg:$0x10] =	wrdreg s12  }
0x1a: {  	s20 =	simm.s32 $0x80;
	s22 =	simm.s32 $0x5C00;
	[dreg:$0x11] =	wrdreg s14  }
0x1b: {  	s16 =	simm.s32 $0x1;
	s18 =	simm.s32 $0x3;
	[dreg:$0x12] =	wrdreg s24  }
0x1c: {  	s25 =	simm.s32 $0x5;
	s0 =	simm.s32 $0x8;
	[dreg:$0x13] =	wrdreg s26  }
0x1d: {  	s6 =	simm.s32 $0x9;
	s7 =	simm.s32 $0xA;
	[dreg:$0x14] =	wrdreg s5  }
0x1e: {  	s24 =	simm.s32 $0x9C00;
	s26 =	simm.s32 $0xDC00;
	s9 =	simm.s32 $0xC  }
0x1f: {  	s10 =	simm.s32 $0xD;
	s5 =	simm.s32 $0xE;
	s11 =	simm.s32 $0x0  }
.LBB2_1:
0x20: {  	s12 =	rddreg [dreg:$0xb];
	s13 =	simm.s32 $0x400;
	s14 =	simm.s32 $0x8000  }
0x21: {  	[tilespmem:s4], [sflag:$0xF] =	stream.strided.gather [hbm4b:s12+s13], $0x1800, s14, s13, $0x38;
	[tilespmem:$0x1DC00] =	vst v63  }
0x22: {  	s15 =	simm.s32 $0x1800;
	s14 =	rddreg [dreg:$0xc]  }
0x23: {  	[tilespmem:s15], [sflag:$0xF] =	stream.linear.gather [hbm4b:s14+s4], $0x100, $0x38;
	[tilespmem:$0x1DC00] =	vst v63  }
0x24: {  	_ =	swait.ge [sflag:s19], $0x1900  }
0x25: {  	[sflag:s19] =	ssyncset.done $0x0  }
0x26: {  	[sflag:s19] =	ssyncadd.s32 $0xFFFFE700  }
0x27: {  	[tilespmem:s21], [sflag:$0x1] =	stream.indirect.gather [hbm4b:s2+s20], $0x80, s4, s20, $0xb8;
	[tilespmem:$0x1DC00] =	vst v63  }
0x28: {  	_ = 	snop  }
0x29: {  	[tilespmem:s22], [sflag:$0x2] =	stream.indirect.gather [hbm4b:s2+s20], $0x80, s20, s20, $0xb8;
	[tilespmem:$0x1DC00] =	vst v63  }
0x2a: {  	s13 =	simm.s32 $0x100  }
0x2b: {  	[tilespmem:s24], [sflag:$0x3] =	stream.indirect.gather [hbm4b:s2+s20], $0x80, s13, s20, $0xb8;
	[tilespmem:$0x1DC00] =	vst v63  }
0x2c: {  	s14 =	simm.s32 $0x180  }
0x2d: {  	[tilespmem:s26], [sflag:$0x4] =	stream.indirect.gather [hbm4b:s2+s20], $0x80, s14, s20, $0xb8;
	[tilespmem:$0x1DC00] =	vst v63  }
0x2e: {  	s15 =	simm.s32 $0x200  }
0x2f: {  	[tilespmem:s29], [sflag:$0x5] =	stream.indirect.gather [hbm4b:s2+s20], $0x80, s15, s20, $0xb8;
	[tilespmem:$0x1DC00] =	vst v63  }
0x30: {  	s13 =	simm.s32 $0x280  }
0x31: {  	[tilespmem:s31], [sflag:$0x6] =	stream.indirect.gather [hbm4b:s2+s20], $0x80, s13, s20, $0xb8;
	[tilespmem:$0x1DC00] =	vst v63  }
0x32: {  	s14 =	simm.s32 $0x300  }
0x33: {  	[tilespmem:s1], [sflag:$0x7] =	stream.indirect.gather [hbm4b:s2+s20], $0x80, s14, s20, $0xb8;
	[tilespmem:$0x1DC00] =	vst v63  }
0x34: {  	_ =	swait.ge [sflag:s16], $0x4000  }
0x35: {  	s15 =	rddreg [dreg:$0xa];
	[sflag:s16] =	ssyncset.done $0x0  }
0x36: {  	[sflag:s16] =	ssyncadd.s32 $0xFFFFC000;
	s12 =	sadd.s32 s3, s15  }
0x37: {  	[hbm4b:s12+s4] =	stream.linear.scatter [tilespmem:s21], [sflag:$0x8], $0x4000, $0x38;
	[tilespmem:$0x1DC00] =	vst v63  }
0x38: {  	_ =	swait.ge [sflag:s17], $0x4000  }
0x39: {  	s13 =	rddreg [dreg:$0x9];
	[sflag:s17] =	ssyncset.done $0x0  }
0x3a: {  	[sflag:s17] =	ssyncadd.s32 $0xFFFFC000;
	s12 =	sadd.s32 s3, s13  }
0x3b: {  	[hbm4b:s12+s4] =	stream.linear.scatter [tilespmem:s22], [sflag:$0x9], $0x4000, $0x38;
	[tilespmem:$0x1DC00] =	vst v63  }
0x3c: {  	_ =	swait.ge [sflag:s18], $0x4000  }
0x3d: {  	s14 =	rddreg [dreg:$0x8];
	[sflag:s18] =	ssyncset.done $0x0  }
0x3e: {  	[sflag:s18] =	ssyncadd.s32 $0xFFFFC000;
	s12 =	sadd.s32 s3, s14  }
0x3f: {  	[hbm4b:s12+s4] =	stream.linear.scatter [tilespmem:s24], [sflag:$0xA], $0x4000, $0x38;
	[tilespmem:$0x1DC00] =	vst v63  }
0x40: {  	_ =	swait.ge [sflag:s23], $0x4000  }
0x41: {  	s15 =	rddreg [dreg:$0x7];
	[sflag:s23] =	ssyncset.done $0x0  }
0x42: {  	[sflag:s23] =	ssyncadd.s32 $0xFFFFC000;
	s12 =	sadd.s32 s3, s15  }
0x43: {  	[hbm4b:s12+s4] =	stream.linear.scatter [tilespmem:s26], [sflag:$0xB], $0x4000, $0x38;
	[tilespmem:$0x1DC00] =	vst v63  }
0x44: {  	_ =	swait.ge [sflag:s25], $0x4000  }
0x45: {  	s13 =	rddreg [dreg:$0x6];
	[sflag:s25] =	ssyncset.done $0x0  }
0x46: {  	[sflag:s25] =	ssyncadd.s32 $0xFFFFC000;
	s12 =	sadd.s32 s3, s13  }
0x47: {  	[hbm4b:s12+s4] =	stream.linear.scatter [tilespmem:s29], [sflag:$0xC], $0x4000, $0x38;
	[tilespmem:$0x1DC00] =	vst v63  }
0x48: {  	_ =	swait.ge [sflag:s28], $0x4000  }
0x49: {  	s14 =	rddreg [dreg:$0x5];
	[sflag:s28] =	ssyncset.done $0x0  }
0x4a: {  	[sflag:s28] =	ssyncadd.s32 $0xFFFFC000;
	s12 =	sadd.s32 s3, s14  }
0x4b: {  	[hbm4b:s12+s4] =	stream.linear.scatter [tilespmem:s31], [sflag:$0xD], $0x4000, $0x38;
	[tilespmem:$0x1DC00] =	vst v63  }
0x4c: {  	_ =	swait.ge [sflag:s30], $0x4000  }
0x4d: {  	s15 =	rddreg [dreg:$0x4];
	[sflag:s30] =	ssyncset.done $0x0  }
0x4e: {  	[sflag:s30] =	ssyncadd.s32 $0xFFFFC000;
	s12 =	sadd.s32 s3, s15  }
0x4f: {  	[hbm4b:s12+s4] =	stream.linear.scatter [tilespmem:s1], [sflag:$0xE], $0x4000, $0x38;
	[tilespmem:$0x1DC00] =	vst v63  }
0x50: {  	_ =	swait.ge [sflag:s0], $0x4000  }
0x51: {  	[sflag:s0] =	ssyncset.done $0x0  }
0x52: {  	s13 =	simm.s32 $0x380;
	[sflag:s0] =	ssyncadd.s32 $0xFFFFC000  }
0x53: {  	[tilespmem:s21], [sflag:$0x1] =	stream.indirect.gather [hbm4b:s2+s20], $0x80, s13, s20, $0xb8;
	[tilespmem:$0x1DC00] =	vst v63  }
0x54: {  	_ =	swait.ge [sflag:s6], $0x4000  }
0x55: {  	[sflag:s6] =	ssyncset.done $0x0  }
0x56: {  	s14 =	simm.s32 $0x400;
	[sflag:s6] =	ssyncadd.s32 $0xFFFFC000  }
0x57: {  	[tilespmem:s22], [sflag:$0x2] =	stream.indirect.gather [hbm4b:s2+s20], $0x80, s14, s20, $0xb8;
	[tilespmem:$0x1DC00] =	vst v63  }
0x58: {  	_ =	swait.ge [sflag:s7], $0x4000  }
0x59: {  	[sflag:s7] =	ssyncset.done $0x0  }
0x5a: {  	s15 =	simm.s32 $0x480;
	[sflag:s7] =	ssyncadd.s32 $0xFFFFC000  }
0x5b: {  	[tilespmem:s24], [sflag:$0x3] =	stream.indirect.gather [hbm4b:s2+s20], $0x80, s15, s20, $0xb8;
	[tilespmem:$0x1DC00] =	vst v63  }
0x5c: {  	_ =	swait.ge [sflag:s8], $0x4000  }
0x5d: {  	[sflag:s8] =	ssyncset.done $0x0  }
0x5e: {  	s13 =	simm.s32 $0x500;
	[sflag:s8] =	ssyncadd.s32 $0xFFFFC000  }
0x5f: {  	[tilespmem:s26], [sflag:$0x4] =	stream.indirect.gather [hbm4b:s2+s20], $0x80, s13, s20, $0xb8;
	[tilespmem:$0x1DC00] =	vst v63  }
0x60: {  	_ =	swait.ge [sflag:s9], $0x4000  }
0x61: {  	[sflag:s9] =	ssyncset.done $0x0  }
0x62: {  	s14 =	simm.s32 $0x580;
	[sflag:s9] =	ssyncadd.s32 $0xFFFFC000  }
0x63: {  	[tilespmem:s29], [sflag:$0x5] =	stream.indirect.gather [hbm4b:s2+s20], $0x80, s14, s20, $0xb8;
	[tilespmem:$0x1DC00] =	vst v63  }
0x64: {  	_ =	swait.ge [sflag:s10], $0x4000  }
0x65: {  	[sflag:s10] =	ssyncset.done $0x0  }
0x66: {  	s15 =	simm.s32 $0x600;
	[sflag:s10] =	ssyncadd.s32 $0xFFFFC000  }
0x67: {  	[tilespmem:s31], [sflag:$0x6] =	stream.indirect.gather [hbm4b:s2+s20], $0x80, s15, s20, $0xb8;
	[tilespmem:$0x1DC00] =	vst v63  }
0x68: {  	_ =	swait.ge [sflag:s5], $0x4000  }
0x69: {  	s12 =	simm.s32 $0xE00;
	[sflag:s5] =	ssyncset.done $0x0  }
0x6a: {  	s13 =	sadd.s32 $0x70000, s3;
	s14 =	simm.s32 $0x680;
	[sflag:s5] =	ssyncadd.s32 $0xFFFFC000  }
.LBB2_2:
0x6b: {  	[tilespmem:s1], [sflag:$0x7] =	stream.indirect.gather [hbm4b:s2+s20], $0x80, s14, s20, $0xb8;
	[tilespmem:$0x1DC00] =	vst v63  }
0x6c: {  	_ =	swait.ge [sflag:s16], $0x4000  }
0x6d: {  	s15 =	rddreg [dreg:$0xa];
	[sflag:s16] =	ssyncset.done $0x0  }
0x6e: {  	[sflag:s16] =	ssyncadd.s32 $0xFFFFC000;
	s15 =	sadd.s32 s13, s15  }
0x6f: {  	[hbm4b:s15+s4] =	stream.linear.scatter [tilespmem:s21], [sflag:$0x8], $0x4000, $0x38;
	[tilespmem:$0x1DC00] =	vst v63  }
0x70: {  	_ =	swait.ge [sflag:s17], $0x4000  }
0x71: {  	s15 =	rddreg [dreg:$0x9];
	[sflag:s17] =	ssyncset.done $0x0  }
0x72: {  	[sflag:s17] =	ssyncadd.s32 $0xFFFFC000;
	s15 =	sadd.s32 s13, s15  }
0x73: {  	[hbm4b:s15+s4] =	stream.linear.scatter [tilespmem:s22], [sflag:$0x9], $0x4000, $0x38;
	[tilespmem:$0x1DC00] =	vst v63  }
0x74: {  	_ =	swait.ge [sflag:s18], $0x4000  }
0x75: {  	s15 =	rddreg [dreg:$0x8];
	[sflag:s18] =	ssyncset.done $0x0  }
0x76: {  	[sflag:s18] =	ssyncadd.s32 $0xFFFFC000;
	s15 =	sadd.s32 s13, s15  }
0x77: {  	[hbm4b:s15+s4] =	stream.linear.scatter [tilespmem:s24], [sflag:$0xA], $0x4000, $0x38;
	[tilespmem:$0x1DC00] =	vst v63  }
0x78: {  	_ =	swait.ge [sflag:s23], $0x4000  }
0x79: {  	s15 =	rddreg [dreg:$0x7];
	[sflag:s23] =	ssyncset.done $0x0  }
0x7a: {  	[sflag:s23] =	ssyncadd.s32 $0xFFFFC000;
	s15 =	sadd.s32 s13, s15  }
0x7b: {  	[hbm4b:s15+s4] =	stream.linear.scatter [tilespmem:s26], [sflag:$0xB], $0x4000, $0x38;
	[tilespmem:$0x1DC00] =	vst v63  }
0x7c: {  	_ =	swait.ge [sflag:s25], $0x4000  }
0x7d: {  	s15 =	rddreg [dreg:$0x6];
	[sflag:s25] =	ssyncset.done $0x0  }
0x7e: {  	[sflag:s25] =	ssyncadd.s32 $0xFFFFC000;
	s15 =	sadd.s32 s13, s15  }
0x7f: {  	[hbm4b:s15+s4] =	stream.linear.scatter [tilespmem:s29], [sflag:$0xC], $0x4000, $0x38;
	[tilespmem:$0x1DC00] =	vst v63  }
0x80: {  	_ =	swait.ge [sflag:s28], $0x4000  }
0x81: {  	s15 =	rddreg [dreg:$0x5];
	[sflag:s28] =	ssyncset.done $0x0  }
0x82: {  	[sflag:s28] =	ssyncadd.s32 $0xFFFFC000;
	s15 =	sadd.s32 s13, s15  }
0x83: {  	[hbm4b:s15+s4] =	stream.linear.scatter [tilespmem:s31], [sflag:$0xD], $0x4000, $0x38;
	[tilespmem:$0x1DC00] =	vst v63  }
0x84: {  	_ =	swait.ge [sflag:s30], $0x4000  }
0x85: {  	s15 =	rddreg [dreg:$0x4];
	[sflag:s30] =	ssyncset.done $0x0  }
0x86: {  	[sflag:s30] =	ssyncadd.s32 $0xFFFFC000;
	s15 =	sadd.s32 s13, s15  }
0x87: {  	[hbm4b:s15+s4] =	stream.linear.scatter [tilespmem:s1], [sflag:$0xE], $0x4000, $0x38;
	[tilespmem:$0x1DC00] =	vst v63  }
0x88: {  	s14 =	smov.u32 s12;
	_ =	swait.ge [sflag:s0], $0x4000  }
0x89: {  	s14 =	sshra.s32 s14, $0x2;
	[sflag:s0] =	ssyncset.done $0x0  }
0x8a: {  	s15 =	sadd.s32 $0x380, s14;
	[sflag:s0] =	ssyncadd.s32 $0xFFFFC000  }
0x8b: {  	[tilespmem:s21], [sflag:$0x1] =	stream.indirect.gather [hbm4b:s2+s20], $0x80, s15, s20, $0xb8;
	[tilespmem:$0x1DC00] =	vst v63  }
0x8c: {  	_ =	swait.ge [sflag:s6], $0x4000  }
0x8d: {  	[sflag:s6] =	ssyncset.done $0x0  }
0x8e: {  	s15 =	sadd.s32 $0x400, s14;
	[sflag:s6] =	ssyncadd.s32 $0xFFFFC000  }
0x8f: {  	[tilespmem:s22], [sflag:$0x2] =	stream.indirect.gather [hbm4b:s2+s20], $0x80, s15, s20, $0xb8;
	[tilespmem:$0x1DC00] =	vst v63  }
0x90: {  	_ =	swait.ge [sflag:s7], $0x4000  }
0x91: {  	[sflag:s7] =	ssyncset.done $0x0  }
0x92: {  	s15 =	sadd.s32 $0x480, s14;
	[sflag:s7] =	ssyncadd.s32 $0xFFFFC000  }
0x93: {  	[tilespmem:s24], [sflag:$0x3] =	stream.indirect.gather [hbm4b:s2+s20], $0x80, s15, s20, $0xb8;
	[tilespmem:$0x1DC00] =	vst v63  }
0x94: {  	_ =	swait.ge [sflag:s8], $0x4000  }
0x95: {  	[sflag:s8] =	ssyncset.done $0x0  }
0x96: {  	s15 =	sadd.s32 $0x500, s14;
	[sflag:s8] =	ssyncadd.s32 $0xFFFFC000  }
0x97: {  	[tilespmem:s26], [sflag:$0x4] =	stream.indirect.gather [hbm4b:s2+s20], $0x80, s15, s20, $0xb8;
	[tilespmem:$0x1DC00] =	vst v63  }
0x98: {  	_ =	swait.ge [sflag:s9], $0x4000  }
0x99: {  	[sflag:s9] =	ssyncset.done $0x0  }
0x9a: {  	s15 =	sadd.s32 $0x580, s14;
	[sflag:s9] =	ssyncadd.s32 $0xFFFFC000  }
0x9b: {  	[tilespmem:s29], [sflag:$0x5] =	stream.indirect.gather [hbm4b:s2+s20], $0x80, s15, s20, $0xb8;
	[tilespmem:$0x1DC00] =	vst v63  }
0x9c: {  	_ =	swait.ge [sflag:s10], $0x4000  }
0x9d: {  	p0 =	sne.s32 s12, $0x4600;
	[sflag:s10] =	ssyncset.done $0x0  }
.Ltmp0:
0x9e: {  	s15 =	sadd.s32 $0x600, s14;
	[sflag:s10] =	ssyncadd.s32 $0xFFFFC000;
	(pc) =	sbr.rel @p0 .LBB2_2-.Ltmp0, $4  }
0x9f: {  	[tilespmem:s31], [sflag:$0x6] =	stream.indirect.gather [hbm4b:s2+s20], $0x80, s15, s20, $0xb8;
	[tilespmem:$0x1DC00] =	vst v63  }
0xa0: {  	_ =	swait.ge [sflag:s5], $0x4000  }
0xa1: {  	s12 =	sadd.s32 $0xE00, s12;
	[sflag:s5] =	ssyncset.done $0x0  }
0xa2: {  	s13 =	sadd.s32 $0x70000, s13;
	s14 =	sadd.s32 $0x680, s14;
	[sflag:s5] =	ssyncadd.s32 $0xFFFFC000  }
0xa3: {  	[tilespmem:s1], [sflag:$0x7] =	stream.indirect.gather [hbm4b:s2+s20], $0x80, s14, s20, $0xb8;
	[tilespmem:$0x1DC00] =	vst v63  }
0xa4: {  	_ =	swait.ge [sflag:s16], $0x4000  }
0xa5: {  	[sflag:s16] =	ssyncset.done $0x0  }
0xa6: {  	s12 =	rddreg [dreg:$0xd];
	[sflag:s16] =	ssyncadd.s32 $0xFFFFC000  }
0xa7: {  	[hbm4b:s12+s4] =	stream.linear.scatter [tilespmem:s21], [sflag:$0x8], $0x4000, $0x38;
	[tilespmem:$0x1DC00] =	vst v63  }
0xa8: {  	_ =	swait.ge [sflag:s17], $0x4000  }
0xa9: {  	[sflag:s17] =	ssyncset.done $0x0  }
0xaa: {  	s13 =	rddreg [dreg:$0xe];
	[sflag:s17] =	ssyncadd.s32 $0xFFFFC000  }
0xab: {  	[hbm4b:s13+s4] =	stream.linear.scatter [tilespmem:s22], [sflag:$0x9], $0x4000, $0x38;
	[tilespmem:$0x1DC00] =	vst v63  }
0xac: {  	_ =	swait.ge [sflag:s18], $0x4000  }
0xad: {  	[sflag:s18] =	ssyncset.done $0x0  }
0xae: {  	s14 =	rddreg [dreg:$0xf];
	[sflag:s18] =	ssyncadd.s32 $0xFFFFC000  }
0xaf: {  	[hbm4b:s14+s4] =	stream.linear.scatter [tilespmem:s24], [sflag:$0xA], $0x4000, $0x38;
	[tilespmem:$0x1DC00] =	vst v63  }
0xb0: {  	_ =	swait.ge [sflag:s23], $0x4000  }
0xb1: {  	[sflag:s23] =	ssyncset.done $0x0  }
0xb2: {  	s15 =	rddreg [dreg:$0x10];
	[sflag:s23] =	ssyncadd.s32 $0xFFFFC000  }
0xb3: {  	[hbm4b:s15+s4] =	stream.linear.scatter [tilespmem:s26], [sflag:$0xB], $0x4000, $0x38;
	[tilespmem:$0x1DC00] =	vst v63  }
0xb4: {  	_ =	swait.ge [sflag:s25], $0x4000  }
0xb5: {  	[sflag:s25] =	ssyncset.done $0x0  }
0xb6: {  	s13 =	rddreg [dreg:$0x11];
	[sflag:s25] =	ssyncadd.s32 $0xFFFFC000  }
0xb7: {  	[hbm4b:s13+s4] =	stream.linear.scatter [tilespmem:s29], [sflag:$0xC], $0x4000, $0x38;
	[tilespmem:$0x1DC00] =	vst v63  }
0xb8: {  	_ =	swait.ge [sflag:s28], $0x4000  }
0xb9: {  	[sflag:s28] =	ssyncset.done $0x0  }
0xba: {  	s14 =	rddreg [dreg:$0x12];
	[sflag:s28] =	ssyncadd.s32 $0xFFFFC000  }
0xbb: {  	[hbm4b:s14+s4] =	stream.linear.scatter [tilespmem:s31], [sflag:$0xD], $0x4000, $0x38;
	[tilespmem:$0x1DC00] =	vst v63  }
0xbc: {  	_ =	swait.ge [sflag:s30], $0x4000  }
0xbd: {  	[sflag:s30] =	ssyncset.done $0x0  }
0xbe: {  	s15 =	rddreg [dreg:$0x13];
	[sflag:s30] =	ssyncadd.s32 $0xFFFFC000  }
0xbf: {  	[hbm4b:s15+s4] =	stream.linear.scatter [tilespmem:s1], [sflag:$0xE], $0x4000, $0x38;
	[tilespmem:$0x1DC00] =	vst v63  }
0xc0: {  	_ =	swait.ge [sflag:s0], $0x4000  }
0xc1: {  	[sflag:s0] =	ssyncset.done $0x0  }
0xc2: {  	s13 =	simm.s32 $0x1880;
	[sflag:s0] =	ssyncadd.s32 $0xFFFFC000  }
0xc3: {  	[tilespmem:s21], [sflag:$0x1] =	stream.indirect.gather [hbm4b:s2+s20], $0x80, s13, s20, $0xb8;
	[tilespmem:$0x1DC00] =	vst v63  }
0xc4: {  	_ =	swait.ge [sflag:s16], $0x4000  }
0xc5: {  	[sflag:s16] =	ssyncset.done $0x0  }
0xc6: {  	s14 =	rddreg [dreg:$0x14];
	[sflag:s16] =	ssyncadd.s32 $0xFFFFC000  }
0xc7: {  	[hbm4b:s14+s4] =	stream.linear.scatter [tilespmem:s21], [sflag:$0x8], $0x4000, $0x38;
	[tilespmem:$0x1DC00] =	vst v63  }
0xc8: {  	_ =	swait.ge [sflag:s0], $0x4000  }
0xc9: {  	[sflag:s0] =	ssyncset.done $0x0  }
0xca: {  	[sflag:s0] =	ssyncadd.s32 $0xFFFFC000  }
0xcb: {  	_ =	swait.ge [sflag:s6], $0x4000  }
0xcc: {  	[sflag:s6] =	ssyncset.done $0x0  }
0xcd: {  	[sflag:s6] =	ssyncadd.s32 $0xFFFFC000  }
0xce: {  	_ =	swait.ge [sflag:s7], $0x4000  }
0xcf: {  	[sflag:s7] =	ssyncset.done $0x0  }
0xd0: {  	[sflag:s7] =	ssyncadd.s32 $0xFFFFC000  }
0xd1: {  	_ =	swait.ge [sflag:s8], $0x4000  }
0xd2: {  	[sflag:s8] =	ssyncset.done $0x0  }
0xd3: {  	[sflag:s8] =	ssyncadd.s32 $0xFFFFC000  }
0xd4: {  	_ =	swait.ge [sflag:s9], $0x4000  }
0xd5: {  	[sflag:s9] =	ssyncset.done $0x0  }
0xd6: {  	[sflag:s9] =	ssyncadd.s32 $0xFFFFC000  }
0xd7: {  	_ =	swait.ge [sflag:s10], $0x4000  }
0xd8: {  	[sflag:s10] =	ssyncset.done $0x0  }
0xd9: {  	[sflag:s10] =	ssyncadd.s32 $0xFFFFC000  }
0xda: {  	_ =	swait.ge [sflag:s5], $0x4000  }
0xdb: {  	s11 =	sadd.s32 $0x1, s11;
	s15 =	rddreg [dreg:$0x15]  }
0xdc: {  	p0 =	sne.s32 s11, s15  }
.Ltmp1:
0xdd: {  	_ = 	snop;
	(pc) =	sbr.rel @p0 .LBB2_1-.Ltmp1, $3  }
0xde: {  	_ =	sdelay $0x1  }
0xdf: {  	[sflag:s5] =	ssyncset.done $0x0  }
0xe0: {  	[sflag:s5] =	ssyncadd.s32 $0xFFFFC000  }
0xe1: {  	_ =	sfence.sel $0x180000  }
0xe2: {  	[bflag:$0x0] =	sbarrier.arrive $0xFFFF  }
0xe3: {  	_ =	strace $0x90000047  }
0xe4: {  	s0 =	stileid.u32;
	[bflag:$0x2] =	sbarrier.arrive $0xFFFF  }
0xe5: {  	p0 =	sne.s32 s0, $0x0;
	s0 =	rddreg [dreg:$0x3]  }
0xe6: {  	s0 =	sadd.s32 @!p0 $0x100000, s0  }
0xe7: {  	[sflag:s0] =	ssyncadd.tile.s32 @!p0 $0x1;
	_ =	shalt  }
.Lfunc_end2:
_tile_overlayer_lowered:
.L_overlay_start_2:
0xe8: {  	(tag) =	ssettag $0x2  }
0xe9: {  	s0 =	rddreg [dreg:$0x0];
	s2 =	stileid.u32  }
0xea: {  	s1 =	rddreg [dreg:$0x1];
	p0 =	sne.s32 s2, $0x0  }
0xeb: {  	s3 =	rddreg [dreg:$0x2];
	[bflag:$0x3] =	sbarrier.arrive $0xFFFF;
	s2 =	simm.s32 @!p0 $0x1C0F  }
0xec: {  	[timem:s3], [sflag:s2] =	dma.local @!p0 [hbm:s0], s1  }
0xed: {  	s0 =	simm.s32 @!p0 $0xF  }
0xee: {  	_ =	swait.ge @!p0 [sflag:s0], s1  }
0xef: {  	s1 =	ssub.s32 @!p0 $0x0, s1;
	[sflag:s0] =	ssyncset.done @!p0 $0x0  }
0xf0: {  	[sflag:s0] =	ssyncadd.s32 @!p0 s1  }
0xf1: {  	[bflag:$0x3] =	sbarrier.arrive $0xFFFF  }
0xf2: {  	_ =	shalt  }

</sc_bundles>
